<compile_context>
chip_gen: v7x
topology: tpu7x:2x2x1
jax: 0.10.2.dev20260603
libtpu: 0.0.44.dev20260713+nightly
codegen_flags: <defaults>
</compile_context>

<pallas_src>
import functools

import jax
import jax.numpy as jnp
from jax import lax
from jax.experimental import pallas as pl
from jax.experimental.pallas import tpu as pltpu
from jax.experimental.pallas import tpu_sc as plsc

NC = 2
NS = 16
L = 16
NSHIFT = 8
LANE = 128


def _used_window(S, n_rows):
    max_len = (n_rows + 1) // 2
    offset = max_len - 1
    top = offset + S - 1
    lo = max(0, top - (2 * S - 1) - (NSHIFT - 1))
    lo -= lo % NSHIFT
    return lo, top + 1, top


def _sc_gather_rev8(S, D, n_rows, lo, top):
    NW = NC * NS
    W2 = 2 * S
    RW = NSHIFT * W2 // NW
    HW = 2 * RW
    n_half = D // LANE
    assert n_half == 2 and RW % NSHIFT == 0 and W2 % RW == 0

    mesh = plsc.VectorSubcoreMesh(
        core_axis_name="c", subcore_axis_name="s",
        num_cores=NC, num_subcores=NS,
    )

    @functools.partial(
        pl.kernel,
        out_type=jax.ShapeDtypeStruct((NSHIFT * W2 * n_half, LANE), jnp.float32),
        mesh=mesh,
        compiler_params=pltpu.CompilerParams(use_tc_tiling_on_sc=False),
        scratch_types=[
            pltpu.VMEM((HW,), jnp.int32),
            pltpu.VMEM((HW, LANE), jnp.float32),
            pltpu.SemaphoreType.DMA,
        ],
    )
    def gather(pe2_hbm, rev_hbm, idx_v, win_v, sem):
        wid = lax.axis_index("s") * NC + lax.axis_index("c")
        shift = wid // (W2 // RW)
        base = 2 * (top - lo + (W2 - 1) * shift - wid * RW)
        lv = lax.iota(jnp.int32, L)
        lane_adj = lax.shift_right_logical(lv, 3) - 2 * lax.bitwise_and(lv, 7)
        for g in range(HW // L):
            idx_v[pl.ds(g * L, L)] = (
                jnp.full((L,), base - 2 * NSHIFT * g, jnp.int32) + lane_adj
            )
        copies = []
        k = 0
        while k < HW:
            n = min(128, HW - k)
            copies.append(pltpu.async_copy(
                pe2_hbm.at[idx_v.at[pl.ds(k, n)]],
                win_v.at[pl.ds(k, n), :],
                sem,
            ))
            k += n
        for cp in copies:
            cp.wait()
        pltpu.sync_copy(win_v, rev_hbm.at[pl.ds(wid * HW, HW), :])

    return gather


def _tc_broadcast(S, D, rows_per_step=8):
    W2 = 2 * S
    n_half = D // LANE

    def body(rev_ref, out_ref):
        b = pl.program_id(0)
        for r in range(rows_per_step):
            i = b * rows_per_step + r
            t = (S - 1) - i
            s = lax.rem(t, NSHIFT)
            row = (W2 - 1) * s + t
            row = pl.multiple_of(row, NSHIFT)
            rt = row // NSHIFT
            for ct in range(n_half):
                blk = rev_ref[pl.ds(rt, S // NSHIFT), ct, :, :]
                out_ref[r, :, ct * LANE:(ct + 1) * LANE] = (
                    blk.reshape(S, LANE)
                )

    return pl.pallas_call(
        body,
        grid=(S // rows_per_step,),
        in_specs=[pl.BlockSpec(
            (NSHIFT * W2 // NSHIFT, n_half, NSHIFT, LANE),
            lambda i: (0, 0, 0, 0),
        )],
        out_specs=pl.BlockSpec((rows_per_step, S, D), lambda i: (i, 0, 0)),
        out_shape=jax.ShapeDtypeStruct((S, S, D), jnp.float32),
        compiler_params=pltpu.CompilerParams(
            dimension_semantics=("arbitrary",),
            vmem_limit_bytes=64 * 1024 * 1024,
        ),
    )


def kernel(x, relative_pe, seq_len):
    S = x.shape[1]
    n_rows, D = relative_pe.shape
    lo, hi, top = _used_window(S, n_rows)
    pe_win = lax.slice(relative_pe, (lo, 0), (hi, D))
    pe2 = pe_win.reshape((hi - lo) * (D // LANE), LANE)
    rev2d = _sc_gather_rev8(S, D, n_rows, lo, top)(pe2)
    rev4 = rev2d.reshape(NSHIFT * 2 * S // NSHIFT, D // LANE, NSHIFT, LANE)
    return _tc_broadcast(S, D)(rev4)

# --- scband reference (transcript-rebuilt; emitter-appended) ---
"""Pipeline reference for scband-relative-positional-encoding-11175504904675 (READ-ONLY COPY).

The authoritative reference and input builder live on the scoring server;
editing this copy changes nothing except your own understanding.
"""

import jax, jax.numpy as jnp
import numpy as np

BATCH = 8
SEQ_LEN = 512
D_MODEL = 256
MAX_LEN = 5000


def setup_inputs(seed: int = 0) -> dict:
    key = jax.random.key(seed)
    k1, k2 = jax.random.split(key)
    x = jax.random.normal(k1, (BATCH, SEQ_LEN, D_MODEL), dtype=jnp.float32)
    # nn.init.xavier_uniform_ on a (2*max_len-1, d_model) parameter:
    # fan_in = d_model (dim 1), fan_out = 2*max_len-1 (dim 0)
    n_rows = 2 * MAX_LEN - 1
    bound = float(np.sqrt(6.0 / (D_MODEL + n_rows)))
    relative_pe = jax.random.uniform(
        k2, (n_rows, D_MODEL), minval=-bound, maxval=bound, dtype=jnp.float32
    )
    return {"x": x, "relative_pe": relative_pe, "seq_len": SEQ_LEN}


def reference(x, relative_pe, seq_len):
    # forward(x) in the torch module is an identity pass-through; the
    # substantive computation is get_relative_bias(seq_len), reproduced here.
    static_len = x.shape[1]
    positions = jnp.arange(static_len) + 0 * seq_len
    rel_distances = positions[:, None] - positions[None, :]
    rel_distances = jnp.clip(rel_distances, -(MAX_LEN - 1), MAX_LEN - 1)
    indices = rel_distances + MAX_LEN - 1
    relative_bias = jnp.take(relative_pe, indices, axis=0)  # (S, S, D)
    return relative_bias

if __name__ == "__main__":
    import jax
    _d = setup_inputs()
    print(jax.jit(kernel)(*tuple(_d.values())))

</pallas_src>

<mosaic_0001>
#map = affine_map<(d0, d1) -> (0, 0)>
module attributes {stable_mosaic.version = 14 : i64} {
  func.func @gather(%arg0: i32, %arg1: i32, %arg2: memref<2062x128xf32, #tpu.memory_space<hbm>>, %arg3: memref<16384x128xf32, #tpu.memory_space<hbm>>, %arg4: memref<512xi32, #tpu.memory_space<vmem>>, %arg5: memref<512x128xf32, #tpu.memory_space<vmem>>, %arg6: memref<!tpu.dma_semaphore, #tpu.memory_space<semaphore_mem>>) attributes {dimension_semantics = [#tpu.dimension_semantics<core_parallel>, #tpu.dimension_semantics<subcore_parallel>], iteration_bounds = array<i64: 2, 16>, scalar_prefetch = 0 : i64, scratch_operands = 3 : i64, tpu.core_type = #tpu.core_type<sc_vector_subcore>, window_params = [{transform_indices = #map}, {transform_indices = #map}]} {
    %mul3A = arith.constant 2 : i32
    %mul3A_0 = arith.muli %arg1, %mul3A : i32
    %add3A = arith.addi %mul3A_0, %arg0 : i32
    %jit3A = arith.constant 4 : i32
    %div3A = arith.divsi %add3A, %jit3A : i32
    %sign3A = arith.constant 0 : i32
    %sign3A_1 = arith.cmpi sgt, %add3A, %sign3A : i32
    %sign3A_2 = arith.extui %sign3A_1 : i1 to i32
    %sign3A_3 = arith.constant 0 : i32
    %sign3A_4 = arith.cmpi slt, %add3A, %sign3A_3 : i32
    %sign3A_5 = arith.extui %sign3A_4 : i1 to i32
    %sign3A_6 = arith.subi %sign3A_2, %sign3A_5 : i32
    %sign3A_7 = arith.constant 0 : i32
    %sign3A_8 = arith.cmpi sgt, %jit3A, %sign3A_7 : i32
    %sign3A_9 = arith.extui %sign3A_8 : i1 to i32
    %sign3A_10 = arith.constant 0 : i32
    %sign3A_11 = arith.cmpi slt, %jit3A, %sign3A_10 : i32
    %sign3A_12 = arith.extui %sign3A_11 : i1 to i32
    %sign3A_13 = arith.subi %sign3A_9, %sign3A_12 : i32
    %ne3A = arith.cmpi ne, %sign3A_6, %sign3A_13 : i32
    %rem3A = arith.remsi %add3A, %jit3A : i32
    %ne3A_14 = arith.constant 0 : i32
    %ne3A_15 = arith.cmpi ne, %rem3A, %ne3A_14 : i32
    %and3A = arith.andi %ne3A, %ne3A_15 : i1
    %sub3A = arith.constant 1 : i32
    %sub3A_16 = arith.subi %div3A, %sub3A : i32
    %select_n3A = arith.select %and3A, %sub3A_16, %div3A : i32
    %mul3A_17 = arith.constant 1023 : i32
    %mul3A_18 = arith.muli %mul3A_17, %select_n3A : i32
    %add3A_19 = arith.constant 1030 : i32
    %add3A_20 = arith.addi %add3A_19, %mul3A_18 : i32
    %mul3A_21 = arith.constant 256 : i32
    %mul3A_22 = arith.muli %add3A, %mul3A_21 : i32
    %sub3A_23 = arith.subi %add3A_20, %mul3A_22 : i32
    %mul3A_24 = arith.constant 2 : i32
    %mul3A_25 = arith.muli %mul3A_24, %sub3A_23 : i32
    %iota3A = tpu.iota {dimensions = array<i32: 0>} : vector<16xi32>
    %shift_right_logical3A = arith.constant 3 : i32
    %shift_right_logical3A_26 = vector.broadcast %shift_right_logical3A : i32 to vector<16xi32>
    %shift_right_logical3A_27 = arith.shrui %iota3A, %shift_right_logical3A_26 : vector<16xi32>
    %and3A_28 = arith.constant 7 : i32
    %and3A_29 = vector.broadcast %and3A_28 : i32 to vector<16xi32>
    %and3A_30 = arith.andi %iota3A, %and3A_29 : vector<16xi32>
    %mul3A_31 = arith.constant 2 : i32
    %mul3A_32 = vector.broadcast %mul3A_31 : i32 to vector<16xi32>
    %mul3A_33 = arith.muli %mul3A_32, %and3A_30 : vector<16xi32>
    %sub3A_34 = arith.subi %shift_right_logical3A_27, %mul3A_33 : vector<16xi32>
    %sub3A_35 = arith.constant 0 : i32
    %sub3A_36 = arith.subi %mul3A_25, %sub3A_35 : i32
    %broadcast_in_dim3A = vector.broadcast %sub3A_36 : i32 to vector<16xi32>
    %add3A_37 = arith.addi %broadcast_in_dim3A, %sub3A_34 : vector<16xi32>
    %swap3A = arith.constant 0 : index
    %swap3A_38 = tpu.vector_load %arg4[%swap3A] {strides = array<i32>} : memref<512xi32, #tpu.memory_space<vmem>>, vector<16xi32>,
    %swap3A_39 = vector.shape_cast %swap3A_38 : vector<16xi32> to vector<16xi32>
    %swap3A_40 = vector.shape_cast %add3A_37 : vector<16xi32> to vector<16xi32>
    tpu.vector_store %arg4[%swap3A], %swap3A_40 {strides = array<i32>} : memref<512xi32, #tpu.memory_space<vmem>>, vector<16xi32>,
    %sub3A_41 = arith.constant 16 : i32
    %sub3A_42 = arith.subi %mul3A_25, %sub3A_41 : i32
    %broadcast_in_dim3A_43 = vector.broadcast %sub3A_42 : i32 to vector<16xi32>
    %add3A_44 = arith.addi %broadcast_in_dim3A_43, %sub3A_34 : vector<16xi32>
    %swap3A_45 = arith.constant 16 : index
    %swap3A_46 = tpu.vector_load %arg4[%swap3A_45] {strides = array<i32>} : memref<512xi32, #tpu.memory_space<vmem>>, vector<16xi32>,
    %swap3A_47 = vector.shape_cast %swap3A_46 : vector<16xi32> to vector<16xi32>
    %swap3A_48 = vector.shape_cast %add3A_44 : vector<16xi32> to vector<16xi32>
    tpu.vector_store %arg4[%swap3A_45], %swap3A_48 {strides = array<i32>} : memref<512xi32, #tpu.memory_space<vmem>>, vector<16xi32>,
    %sub3A_49 = arith.constant 32 : i32
    %sub3A_50 = arith.subi %mul3A_25, %sub3A_49 : i32
    %broadcast_in_dim3A_51 = vector.broadcast %sub3A_50 : i32 to vector<16xi32>
    %add3A_52 = arith.addi %broadcast_in_dim3A_51, %sub3A_34 : vector<16xi32>
    %swap3A_53 = arith.constant 32 : index
    %swap3A_54 = tpu.vector_load %arg4[%swap3A_53] {strides = array<i32>} : memref<512xi32, #tpu.memory_space<vmem>>, vector<16xi32>,
    %swap3A_55 = vector.shape_cast %swap3A_54 : vector<16xi32> to vector<16xi32>
    %swap3A_56 = vector.shape_cast %add3A_52 : vector<16xi32> to vector<16xi32>
    tpu.vector_store %arg4[%swap3A_53], %swap3A_56 {strides = array<i32>} : memref<512xi32, #tpu.memory_space<vmem>>, vector<16xi32>,
    %sub3A_57 = arith.constant 48 : i32
    %sub3A_58 = arith.subi %mul3A_25, %sub3A_57 : i32
    %broadcast_in_dim3A_59 = vector.broadcast %sub3A_58 : i32 to vector<16xi32>
    %add3A_60 = arith.addi %broadcast_in_dim3A_59, %sub3A_34 : vector<16xi32>
    %swap3A_61 = arith.constant 48 : index
    %swap3A_62 = tpu.vector_load %arg4[%swap3A_61] {strides = array<i32>} : memref<512xi32, #tpu.memory_space<vmem>>, vector<16xi32>,
    %swap3A_63 = vector.shape_cast %swap3A_62 : vector<16xi32> to vector<16xi32>
    %swap3A_64 = vector.shape_cast %add3A_60 : vector<16xi32> to vector<16xi32>
    tpu.vector_store %arg4[%swap3A_61], %swap3A_64 {strides = array<i32>} : memref<512xi32, #tpu.memory_space<vmem>>, vector<16xi32>,
    %sub3A_65 = arith.constant 64 : i32
    %sub3A_66 = arith.subi %mul3A_25, %sub3A_65 : i32
    %broadcast_in_dim3A_67 = vector.broadcast %sub3A_66 : i32 to vector<16xi32>
    %add3A_68 = arith.addi %broadcast_in_dim3A_67, %sub3A_34 : vector<16xi32>
    %swap3A_69 = arith.constant 64 : index
    %swap3A_70 = tpu.vector_load %arg4[%swap3A_69] {strides = array<i32>} : memref<512xi32, #tpu.memory_space<vmem>>, vector<16xi32>,
    %swap3A_71 = vector.shape_cast %swap3A_70 : vector<16xi32> to vector<16xi32>
    %swap3A_72 = vector.shape_cast %add3A_68 : vector<16xi32> to vector<16xi32>
    tpu.vector_store %arg4[%swap3A_69], %swap3A_72 {strides = array<i32>} : memref<512xi32, #tpu.memory_space<vmem>>, vector<16xi32>,
    %sub3A_73 = arith.constant 80 : i32
    %sub3A_74 = arith.subi %mul3A_25, %sub3A_73 : i32
    %broadcast_in_dim3A_75 = vector.broadcast %sub3A_74 : i32 to vector<16xi32>
    %add3A_76 = arith.addi %broadcast_in_dim3A_75, %sub3A_34 : vector<16xi32>
    %swap3A_77 = arith.constant 80 : index
    %swap3A_78 = tpu.vector_load %arg4[%swap3A_77] {strides = array<i32>} : memref<512xi32, #tpu.memory_space<vmem>>, vector<16xi32>,
    %swap3A_79 = vector.shape_cast %swap3A_78 : vector<16xi32> to vector<16xi32>
    %swap3A_80 = vector.shape_cast %add3A_76 : vector<16xi32> to vector<16xi32>
    tpu.vector_store %arg4[%swap3A_77], %swap3A_80 {strides = array<i32>} : memref<512xi32, #tpu.memory_space<vmem>>, vector<16xi32>,
    %sub3A_81 = arith.constant 96 : i32
    %sub3A_82 = arith.subi %mul3A_25, %sub3A_81 : i32
    %broadcast_in_dim3A_83 = vector.broadcast %sub3A_82 : i32 to vector<16xi32>
    %add3A_84 = arith.addi %broadcast_in_dim3A_83, %sub3A_34 : vector<16xi32>
    %swap3A_85 = arith.constant 96 : index
    %swap3A_86 = tpu.vector_load %arg4[%swap3A_85] {strides = array<i32>} : memref<512xi32, #tpu.memory_space<vmem>>, vector<16xi32>,
    %swap3A_87 = vector.shape_cast %swap3A_86 : vector<16xi32> to vector<16xi32>
    %swap3A_88 = vector.shape_cast %add3A_84 : vector<16xi32> to vector<16xi32>
    tpu.vector_store %arg4[%swap3A_85], %swap3A_88 {strides = array<i32>} : memref<512xi32, #tpu.memory_space<vmem>>, vector<16xi32>,
    %sub3A_89 = arith.constant 112 : i32
    %sub3A_90 = arith.subi %mul3A_25, %sub3A_89 : i32
    %broadcast_in_dim3A_91 = vector.broadcast %sub3A_90 : i32 to vector<16xi32>
    %add3A_92 = arith.addi %broadcast_in_dim3A_91, %sub3A_34 : vector<16xi32>
    %swap3A_93 = arith.constant 112 : index
    %swap3A_94 = tpu.vector_load %arg4[%swap3A_93] {strides = array<i32>} : memref<512xi32, #tpu.memory_space<vmem>>, vector<16xi32>,
    %swap3A_95 = vector.shape_cast %swap3A_94 : vector<16xi32> to vector<16xi32>
    %swap3A_96 = vector.shape_cast %add3A_92 : vector<16xi32> to vector<16xi32>
    tpu.vector_store %arg4[%swap3A_93], %swap3A_96 {strides = array<i32>} : memref<512xi32, #tpu.memory_space<vmem>>, vector<16xi32>,
    %sub3A_97 = arith.constant 128 : i32
    %sub3A_98 = arith.subi %mul3A_25, %sub3A_97 : i32
    %broadcast_in_dim3A_99 = vector.broadcast %sub3A_98 : i32 to vector<16xi32>
    %add3A_100 = arith.addi %broadcast_in_dim3A_99, %sub3A_34 : vector<16xi32>
    %swap3A_101 = arith.constant 128 : index
    %swap3A_102 = tpu.vector_load %arg4[%swap3A_101] {strides = array<i32>} : memref<512xi32, #tpu.memory_space<vmem>>, vector<16xi32>,
    %swap3A_103 = vector.shape_cast %swap3A_102 : vector<16xi32> to vector<16xi32>
    %swap3A_104 = vector.shape_cast %add3A_100 : vector<16xi32> to vector<16xi32>
    tpu.vector_store %arg4[%swap3A_101], %swap3A_104 {strides = array<i32>} : memref<512xi32, #tpu.memory_space<vmem>>, vector<16xi32>,
    %sub3A_105 = arith.constant 144 : i32
    %sub3A_106 = arith.subi %mul3A_25, %sub3A_105 : i32
    %broadcast_in_dim3A_107 = vector.broadcast %sub3A_106 : i32 to vector<16xi32>
    %add3A_108 = arith.addi %broadcast_in_dim3A_107, %sub3A_34 : vector<16xi32>
    %swap3A_109 = arith.constant 144 : index
    %swap3A_110 = tpu.vector_load %arg4[%swap3A_109] {strides = array<i32>} : memref<512xi32, #tpu.memory_space<vmem>>, vector<16xi32>,
    %swap3A_111 = vector.shape_cast %swap3A_110 : vector<16xi32> to vector<16xi32>
    %swap3A_112 = vector.shape_cast %add3A_108 : vector<16xi32> to vector<16xi32>
    tpu.vector_store %arg4[%swap3A_109], %swap3A_112 {strides = array<i32>} : memref<512xi32, #tpu.memory_space<vmem>>, vector<16xi32>,
    %sub3A_113 = arith.constant 160 : i32
    %sub3A_114 = arith.subi %mul3A_25, %sub3A_113 : i32
    %broadcast_in_dim3A_115 = vector.broadcast %sub3A_114 : i32 to vector<16xi32>
    %add3A_116 = arith.addi %broadcast_in_dim3A_115, %sub3A_34 : vector<16xi32>
    %swap3A_117 = arith.constant 160 : index
    %swap3A_118 = tpu.vector_load %arg4[%swap3A_117] {strides = array<i32>} : memref<512xi32, #tpu.memory_space<vmem>>, vector<16xi32>,
    %swap3A_119 = vector.shape_cast %swap3A_118 : vector<16xi32> to vector<16xi32>
    %swap3A_120 = vector.shape_cast %add3A_116 : vector<16xi32> to vector<16xi32>
    tpu.vector_store %arg4[%swap3A_117], %swap3A_120 {strides = array<i32>} : memref<512xi32, #tpu.memory_space<vmem>>, vector<16xi32>,
    %sub3A_121 = arith.constant 176 : i32
    %sub3A_122 = arith.subi %mul3A_25, %sub3A_121 : i32
    %broadcast_in_dim3A_123 = vector.broadcast %sub3A_122 : i32 to vector<16xi32>
    %add3A_124 = arith.addi %broadcast_in_dim3A_123, %sub3A_34 : vector<16xi32>
    %swap3A_125 = arith.constant 176 : index
    %swap3A_126 = tpu.vector_load %arg4[%swap3A_125] {strides = array<i32>} : memref<512xi32, #tpu.memory_space<vmem>>, vector<16xi32>,
    %swap3A_127 = vector.shape_cast %swap3A_126 : vector<16xi32> to vector<16xi32>
    %swap3A_128 = vector.shape_cast %add3A_124 : vector<16xi32> to vector<16xi32>
    tpu.vector_store %arg4[%swap3A_125], %swap3A_128 {strides = array<i32>} : memref<512xi32, #tpu.memory_space<vmem>>, vector<16xi32>,
    %sub3A_129 = arith.constant 192 : i32
    %sub3A_130 = arith.subi %mul3A_25, %sub3A_129 : i32
    %broadcast_in_dim3A_131 = vector.broadcast %sub3A_130 : i32 to vector<16xi32>
    %add3A_132 = arith.addi %broadcast_in_dim3A_131, %sub3A_34 : vector<16xi32>
    %swap3A_133 = arith.constant 192 : index
    %swap3A_134 = tpu.vector_load %arg4[%swap3A_133] {strides = array<i32>} : memref<512xi32, #tpu.memory_space<vmem>>, vector<16xi32>,
    %swap3A_135 = vector.shape_cast %swap3A_134 : vector<16xi32> to vector<16xi32>
    %swap3A_136 = vector.shape_cast %add3A_132 : vector<16xi32> to vector<16xi32>
    tpu.vector_store %arg4[%swap3A_133], %swap3A_136 {strides = array<i32>} : memref<512xi32, #tpu.memory_space<vmem>>, vector<16xi32>,
    %sub3A_137 = arith.constant 208 : i32
    %sub3A_138 = arith.subi %mul3A_25, %sub3A_137 : i32
    %broadcast_in_dim3A_139 = vector.broadcast %sub3A_138 : i32 to vector<16xi32>
    %add3A_140 = arith.addi %broadcast_in_dim3A_139, %sub3A_34 : vector<16xi32>
    %swap3A_141 = arith.constant 208 : index
    %swap3A_142 = tpu.vector_load %arg4[%swap3A_141] {strides = array<i32>} : memref<512xi32, #tpu.memory_space<vmem>>, vector<16xi32>,
    %swap3A_143 = vector.shape_cast %swap3A_142 : vector<16xi32> to vector<16xi32>
    %swap3A_144 = vector.shape_cast %add3A_140 : vector<16xi32> to vector<16xi32>
    tpu.vector_store %arg4[%swap3A_141], %swap3A_144 {strides = array<i32>} : memref<512xi32, #tpu.memory_space<vmem>>, vector<16xi32>,
    %sub3A_145 = arith.constant 224 : i32
    %sub3A_146 = arith.subi %mul3A_25, %sub3A_145 : i32
    %broadcast_in_dim3A_147 = vector.broadcast %sub3A_146 : i32 to vector<16xi32>
    %add3A_148 = arith.addi %broadcast_in_dim3A_147, %sub3A_34 : vector<16xi32>
    %swap3A_149 = arith.constant 224 : index
    %swap3A_150 = tpu.vector_load %arg4[%swap3A_149] {strides = array<i32>} : memref<512xi32, #tpu.memory_space<vmem>>, vector<16xi32>,
    %swap3A_151 = vector.shape_cast %swap3A_150 : vector<16xi32> to vector<16xi32>
    %swap3A_152 = vector.shape_cast %add3A_148 : vector<16xi32> to vector<16xi32>
    tpu.vector_store %arg4[%swap3A_149], %swap3A_152 {strides = array<i32>} : memref<512xi32, #tpu.memory_space<vmem>>, vector<16xi32>,
    %sub3A_153 = arith.constant 240 : i32
    %sub3A_154 = arith.subi %mul3A_25, %sub3A_153 : i32
    %broadcast_in_dim3A_155 = vector.broadcast %sub3A_154 : i32 to vector<16xi32>
    %add3A_156 = arith.addi %broadcast_in_dim3A_155, %sub3A_34 : vector<16xi32>
    %swap3A_157 = arith.constant 240 : index
    %swap3A_158 = tpu.vector_load %arg4[%swap3A_157] {strides = array<i32>} : memref<512xi32, #tpu.memory_space<vmem>>, vector<16xi32>,
    %swap3A_159 = vector.shape_cast %swap3A_158 : vector<16xi32> to vector<16xi32>
    %swap3A_160 = vector.shape_cast %add3A_156 : vector<16xi32> to vector<16xi32>
    tpu.vector_store %arg4[%swap3A_157], %swap3A_160 {strides = array<i32>} : memref<512xi32, #tpu.memory_space<vmem>>, vector<16xi32>,
    %sub3A_161 = arith.constant 256 : i32
    %sub3A_162 = arith.subi %mul3A_25, %sub3A_161 : i32
    %broadcast_in_dim3A_163 = vector.broadcast %sub3A_162 : i32 to vector<16xi32>
    %add3A_164 = arith.addi %broadcast_in_dim3A_163, %sub3A_34 : vector<16xi32>
    %swap3A_165 = arith.constant 256 : index
    %swap3A_166 = tpu.vector_load %arg4[%swap3A_165] {strides = array<i32>} : memref<512xi32, #tpu.memory_space<vmem>>, vector<16xi32>,
    %swap3A_167 = vector.shape_cast %swap3A_166 : vector<16xi32> to vector<16xi32>
    %swap3A_168 = vector.shape_cast %add3A_164 : vector<16xi32> to vector<16xi32>
    tpu.vector_store %arg4[%swap3A_165], %swap3A_168 {strides = array<i32>} : memref<512xi32, #tpu.memory_space<vmem>>, vector<16xi32>,
    %sub3A_169 = arith.constant 272 : i32
    %sub3A_170 = arith.subi %mul3A_25, %sub3A_169 : i32
    %broadcast_in_dim3A_171 = vector.broadcast %sub3A_170 : i32 to vector<16xi32>
    %add3A_172 = arith.addi %broadcast_in_dim3A_171, %sub3A_34 : vector<16xi32>
    %swap3A_173 = arith.constant 272 : index
    %swap3A_174 = tpu.vector_load %arg4[%swap3A_173] {strides = array<i32>} : memref<512xi32, #tpu.memory_space<vmem>>, vector<16xi32>,
    %swap3A_175 = vector.shape_cast %swap3A_174 : vector<16xi32> to vector<16xi32>
    %swap3A_176 = vector.shape_cast %add3A_172 : vector<16xi32> to vector<16xi32>
    tpu.vector_store %arg4[%swap3A_173], %swap3A_176 {strides = array<i32>} : memref<512xi32, #tpu.memory_space<vmem>>, vector<16xi32>,
    %sub3A_177 = arith.constant 288 : i32
    %sub3A_178 = arith.subi %mul3A_25, %sub3A_177 : i32
    %broadcast_in_dim3A_179 = vector.broadcast %sub3A_178 : i32 to vector<16xi32>
    %add3A_180 = arith.addi %broadcast_in_dim3A_179, %sub3A_34 : vector<16xi32>
    %swap3A_181 = arith.constant 288 : index
    %swap3A_182 = tpu.vector_load %arg4[%swap3A_181] {strides = array<i32>} : memref<512xi32, #tpu.memory_space<vmem>>, vector<16xi32>,
    %swap3A_183 = vector.shape_cast %swap3A_182 : vector<16xi32> to vector<16xi32>
    %swap3A_184 = vector.shape_cast %add3A_180 : vector<16xi32> to vector<16xi32>
    tpu.vector_store %arg4[%swap3A_181], %swap3A_184 {strides = array<i32>} : memref<512xi32, #tpu.memory_space<vmem>>, vector<16xi32>,
    %sub3A_185 = arith.constant 304 : i32
    %sub3A_186 = arith.subi %mul3A_25, %sub3A_185 : i32
    %broadcast_in_dim3A_187 = vector.broadcast %sub3A_186 : i32 to vector<16xi32>
    %add3A_188 = arith.addi %broadcast_in_dim3A_187, %sub3A_34 : vector<16xi32>
    %swap3A_189 = arith.constant 304 : index
    %swap3A_190 = tpu.vector_load %arg4[%swap3A_189] {strides = array<i32>} : memref<512xi32, #tpu.memory_space<vmem>>, vector<16xi32>,
    %swap3A_191 = vector.shape_cast %swap3A_190 : vector<16xi32> to vector<16xi32>
    %swap3A_192 = vector.shape_cast %add3A_188 : vector<16xi32> to vector<16xi32>
    tpu.vector_store %arg4[%swap3A_189], %swap3A_192 {strides = array<i32>} : memref<512xi32, #tpu.memory_space<vmem>>, vector<16xi32>,
    %sub3A_193 = arith.constant 320 : i32
    %sub3A_194 = arith.subi %mul3A_25, %sub3A_193 : i32
    %broadcast_in_dim3A_195 = vector.broadcast %sub3A_194 : i32 to vector<16xi32>
    %add3A_196 = arith.addi %broadcast_in_dim3A_195, %sub3A_34 : vector<16xi32>
    %swap3A_197 = arith.constant 320 : index
    %swap3A_198 = tpu.vector_load %arg4[%swap3A_197] {strides = array<i32>} : memref<512xi32, #tpu.memory_space<vmem>>, vector<16xi32>,
    %swap3A_199 = vector.shape_cast %swap3A_198 : vector<16xi32> to vector<16xi32>
    %swap3A_200 = vector.shape_cast %add3A_196 : vector<16xi32> to vector<16xi32>
    tpu.vector_store %arg4[%swap3A_197], %swap3A_200 {strides = array<i32>} : memref<512xi32, #tpu.memory_space<vmem>>, vector<16xi32>,
    %sub3A_201 = arith.constant 336 : i32
    %sub3A_202 = arith.subi %mul3A_25, %sub3A_201 : i32
    %broadcast_in_dim3A_203 = vector.broadcast %sub3A_202 : i32 to vector<16xi32>
    %add3A_204 = arith.addi %broadcast_in_dim3A_203, %sub3A_34 : vector<16xi32>
    %swap3A_205 = arith.constant 336 : index
    %swap3A_206 = tpu.vector_load %arg4[%swap3A_205] {strides = array<i32>} : memref<512xi32, #tpu.memory_space<vmem>>, vector<16xi32>,
    %swap3A_207 = vector.shape_cast %swap3A_206 : vector<16xi32> to vector<16xi32>
    %swap3A_208 = vector.shape_cast %add3A_204 : vector<16xi32> to vector<16xi32>
    tpu.vector_store %arg4[%swap3A_205], %swap3A_208 {strides = array<i32>} : memref<512xi32, #tpu.memory_space<vmem>>, vector<16xi32>,
    %sub3A_209 = arith.constant 352 : i32
    %sub3A_210 = arith.subi %mul3A_25, %sub3A_209 : i32
    %broadcast_in_dim3A_211 = vector.broadcast %sub3A_210 : i32 to vector<16xi32>
    %add3A_212 = arith.addi %broadcast_in_dim3A_211, %sub3A_34 : vector<16xi32>
    %swap3A_213 = arith.constant 352 : index
    %swap3A_214 = tpu.vector_load %arg4[%swap3A_213] {strides = array<i32>} : memref<512xi32, #tpu.memory_space<vmem>>, vector<16xi32>,
    %swap3A_215 = vector.shape_cast %swap3A_214 : vector<16xi32> to vector<16xi32>
    %swap3A_216 = vector.shape_cast %add3A_212 : vector<16xi32> to vector<16xi32>
    tpu.vector_store %arg4[%swap3A_213], %swap3A_216 {strides = array<i32>} : memref<512xi32, #tpu.memory_space<vmem>>, vector<16xi32>,
    %sub3A_217 = arith.constant 368 : i32
    %sub3A_218 = arith.subi %mul3A_25, %sub3A_217 : i32
    %broadcast_in_dim3A_219 = vector.broadcast %sub3A_218 : i32 to vector<16xi32>
    %add3A_220 = arith.addi %broadcast_in_dim3A_219, %sub3A_34 : vector<16xi32>
    %swap3A_221 = arith.constant 368 : index
    %swap3A_222 = tpu.vector_load %arg4[%swap3A_221] {strides = array<i32>} : memref<512xi32, #tpu.memory_space<vmem>>, vector<16xi32>,
    %swap3A_223 = vector.shape_cast %swap3A_222 : vector<16xi32> to vector<16xi32>
    %swap3A_224 = vector.shape_cast %add3A_220 : vector<16xi32> to vector<16xi32>
    tpu.vector_store %arg4[%swap3A_221], %swap3A_224 {strides = array<i32>} : memref<512xi32, #tpu.memory_space<vmem>>, vector<16xi32>,
    %sub3A_225 = arith.constant 384 : i32
    %sub3A_226 = arith.subi %mul3A_25, %sub3A_225 : i32
    %broadcast_in_dim3A_227 = vector.broadcast %sub3A_226 : i32 to vector<16xi32>
    %add3A_228 = arith.addi %broadcast_in_dim3A_227, %sub3A_34 : vector<16xi32>
    %swap3A_229 = arith.constant 384 : index
    %swap3A_230 = tpu.vector_load %arg4[%swap3A_229] {strides = array<i32>} : memref<512xi32, #tpu.memory_space<vmem>>, vector<16xi32>,
    %swap3A_231 = vector.shape_cast %swap3A_230 : vector<16xi32> to vector<16xi32>
    %swap3A_232 = vector.shape_cast %add3A_228 : vector<16xi32> to vector<16xi32>
    tpu.vector_store %arg4[%swap3A_229], %swap3A_232 {strides = array<i32>} : memref<512xi32, #tpu.memory_space<vmem>>, vector<16xi32>,
    %sub3A_233 = arith.constant 400 : i32
    %sub3A_234 = arith.subi %mul3A_25, %sub3A_233 : i32
    %broadcast_in_dim3A_235 = vector.broadcast %sub3A_234 : i32 to vector<16xi32>
    %add3A_236 = arith.addi %broadcast_in_dim3A_235, %sub3A_34 : vector<16xi32>
    %swap3A_237 = arith.constant 400 : index
    %swap3A_238 = tpu.vector_load %arg4[%swap3A_237] {strides = array<i32>} : memref<512xi32, #tpu.memory_space<vmem>>, vector<16xi32>,
    %swap3A_239 = vector.shape_cast %swap3A_238 : vector<16xi32> to vector<16xi32>
    %swap3A_240 = vector.shape_cast %add3A_236 : vector<16xi32> to vector<16xi32>
    tpu.vector_store %arg4[%swap3A_237], %swap3A_240 {strides = array<i32>} : memref<512xi32, #tpu.memory_space<vmem>>, vector<16xi32>,
    %sub3A_241 = arith.constant 416 : i32
    %sub3A_242 = arith.subi %mul3A_25, %sub3A_241 : i32
    %broadcast_in_dim3A_243 = vector.broadcast %sub3A_242 : i32 to vector<16xi32>
    %add3A_244 = arith.addi %broadcast_in_dim3A_243, %sub3A_34 : vector<16xi32>
    %swap3A_245 = arith.constant 416 : index
    %swap3A_246 = tpu.vector_load %arg4[%swap3A_245] {strides = array<i32>} : memref<512xi32, #tpu.memory_space<vmem>>, vector<16xi32>,
    %swap3A_247 = vector.shape_cast %swap3A_246 : vector<16xi32> to vector<16xi32>
    %swap3A_248 = vector.shape_cast %add3A_244 : vector<16xi32> to vector<16xi32>
    tpu.vector_store %arg4[%swap3A_245], %swap3A_248 {strides = array<i32>} : memref<512xi32, #tpu.memory_space<vmem>>, vector<16xi32>,
    %sub3A_249 = arith.constant 432 : i32
    %sub3A_250 = arith.subi %mul3A_25, %sub3A_249 : i32
    %broadcast_in_dim3A_251 = vector.broadcast %sub3A_250 : i32 to vector<16xi32>
    %add3A_252 = arith.addi %broadcast_in_dim3A_251, %sub3A_34 : vector<16xi32>
    %swap3A_253 = arith.constant 432 : index
    %swap3A_254 = tpu.vector_load %arg4[%swap3A_253] {strides = array<i32>} : memref<512xi32, #tpu.memory_space<vmem>>, vector<16xi32>,
    %swap3A_255 = vector.shape_cast %swap3A_254 : vector<16xi32> to vector<16xi32>
    %swap3A_256 = vector.shape_cast %add3A_252 : vector<16xi32> to vector<16xi32>
    tpu.vector_store %arg4[%swap3A_253], %swap3A_256 {strides = array<i32>} : memref<512xi32, #tpu.memory_space<vmem>>, vector<16xi32>,
    %sub3A_257 = arith.constant 448 : i32
    %sub3A_258 = arith.subi %mul3A_25, %sub3A_257 : i32
    %broadcast_in_dim3A_259 = vector.broadcast %sub3A_258 : i32 to vector<16xi32>
    %add3A_260 = arith.addi %broadcast_in_dim3A_259, %sub3A_34 : vector<16xi32>
    %swap3A_261 = arith.constant 448 : index
    %swap3A_262 = tpu.vector_load %arg4[%swap3A_261] {strides = array<i32>} : memref<512xi32, #tpu.memory_space<vmem>>, vector<16xi32>,
    %swap3A_263 = vector.shape_cast %swap3A_262 : vector<16xi32> to vector<16xi32>
    %swap3A_264 = vector.shape_cast %add3A_260 : vector<16xi32> to vector<16xi32>
    tpu.vector_store %arg4[%swap3A_261], %swap3A_264 {strides = array<i32>} : memref<512xi32, #tpu.memory_space<vmem>>, vector<16xi32>,
    %sub3A_265 = arith.constant 464 : i32
    %sub3A_266 = arith.subi %mul3A_25, %sub3A_265 : i32
    %broadcast_in_dim3A_267 = vector.broadcast %sub3A_266 : i32 to vector<16xi32>
    %add3A_268 = arith.addi %broadcast_in_dim3A_267, %sub3A_34 : vector<16xi32>
    %swap3A_269 = arith.constant 464 : index
    %swap3A_270 = tpu.vector_load %arg4[%swap3A_269] {strides = array<i32>} : memref<512xi32, #tpu.memory_space<vmem>>, vector<16xi32>,
    %swap3A_271 = vector.shape_cast %swap3A_270 : vector<16xi32> to vector<16xi32>
    %swap3A_272 = vector.shape_cast %add3A_268 : vector<16xi32> to vector<16xi32>
    tpu.vector_store %arg4[%swap3A_269], %swap3A_272 {strides = array<i32>} : memref<512xi32, #tpu.memory_space<vmem>>, vector<16xi32>,
    %sub3A_273 = arith.constant 480 : i32
    %sub3A_274 = arith.subi %mul3A_25, %sub3A_273 : i32
    %broadcast_in_dim3A_275 = vector.broadcast %sub3A_274 : i32 to vector<16xi32>
    %add3A_276 = arith.addi %broadcast_in_dim3A_275, %sub3A_34 : vector<16xi32>
    %swap3A_277 = arith.constant 480 : index
    %swap3A_278 = tpu.vector_load %arg4[%swap3A_277] {strides = array<i32>} : memref<512xi32, #tpu.memory_space<vmem>>, vector<16xi32>,
    %swap3A_279 = vector.shape_cast %swap3A_278 : vector<16xi32> to vector<16xi32>
    %swap3A_280 = vector.shape_cast %add3A_276 : vector<16xi32> to vector<16xi32>
    tpu.vector_store %arg4[%swap3A_277], %swap3A_280 {strides = array<i32>} : memref<512xi32, #tpu.memory_space<vmem>>, vector<16xi32>,
    %sub3A_281 = arith.constant 496 : i32
    %sub3A_282 = arith.subi %mul3A_25, %sub3A_281 : i32
    %broadcast_in_dim3A_283 = vector.broadcast %sub3A_282 : i32 to vector<16xi32>
    %add3A_284 = arith.addi %broadcast_in_dim3A_283, %sub3A_34 : vector<16xi32>
    %swap3A_285 = arith.constant 496 : index
    %swap3A_286 = tpu.vector_load %arg4[%swap3A_285] {strides = array<i32>} : memref<512xi32, #tpu.memory_space<vmem>>, vector<16xi32>,
    %swap3A_287 = vector.shape_cast %swap3A_286 : vector<16xi32> to vector<16xi32>
    %swap3A_288 = vector.shape_cast %add3A_284 : vector<16xi32> to vector<16xi32>
    tpu.vector_store %arg4[%swap3A_285], %swap3A_288 {strides = array<i32>} : memref<512xi32, #tpu.memory_space<vmem>>, vector<16xi32>,
    %dma_start3A = arith.constant 0 : i32
    %dma_start3A_289 = arith.constant 0 : i32
    %dma_start3A_290 = tpu.memref_slice %arg5[%dma_start3A, %dma_start3A_289] : memref<512x128xf32, #tpu.memory_space<vmem>> -> memref<128x128xf32, #tpu.memory_space<vmem>>
    %dma_start3A_291 = arith.constant 0 : i32
    %dma_start3A_292 = tpu.memref_slice %arg4[%dma_start3A_291] : memref<512xi32, #tpu.memory_space<vmem>> -> memref<128xi32, #tpu.memory_space<vmem>>
    %dma_start3A_293 = arith.constant 0 : i32
    %dma_start3A_294 = arith.constant 0 : i32
    %dma_start3A_295 = tpu.memref_slice %arg2[%dma_start3A_293, %dma_start3A_294] : memref<2062x128xf32, #tpu.memory_space<hbm>> -> memref<2062x128xf32, #tpu.memory_space<hbm>>
    tpu.enqueue_indirect_dma source(%dma_start3A_295 : memref<2062x128xf32, #tpu.memory_space<hbm>>) target(%dma_start3A_290 : memref<128x128xf32, #tpu.memory_space<vmem>>) offsets(%dma_start3A_292 : memref<128xi32, #tpu.memory_space<vmem>>) semaphore(%arg6 : memref<!tpu.dma_semaphore, #tpu.memory_space<semaphore_mem>>)
    %dma_start3A_296 = arith.constant 128 : i32
    %dma_start3A_297 = arith.constant 0 : i32
    %dma_start3A_298 = tpu.memref_slice %arg5[%dma_start3A_296, %dma_start3A_297] : memref<512x128xf32, #tpu.memory_space<vmem>> -> memref<128x128xf32, #tpu.memory_space<vmem>>
    %dma_start3A_299 = arith.constant 128 : i32
    %dma_start3A_300 = tpu.memref_slice %arg4[%dma_start3A_299] : memref<512xi32, #tpu.memory_space<vmem>> -> memref<128xi32, #tpu.memory_space<vmem>>
    %dma_start3A_301 = arith.constant 0 : i32
    %dma_start3A_302 = arith.constant 0 : i32
    %dma_start3A_303 = tpu.memref_slice %arg2[%dma_start3A_301, %dma_start3A_302] : memref<2062x128xf32, #tpu.memory_space<hbm>> -> memref<2062x128xf32, #tpu.memory_space<hbm>>
    tpu.enqueue_indirect_dma source(%dma_start3A_303 : memref<2062x128xf32, #tpu.memory_space<hbm>>) target(%dma_start3A_298 : memref<128x128xf32, #tpu.memory_space<vmem>>) offsets(%dma_start3A_300 : memref<128xi32, #tpu.memory_space<vmem>>) semaphore(%arg6 : memref<!tpu.dma_semaphore, #tpu.memory_space<semaphore_mem>>)
    %dma_start3A_304 = arith.constant 256 : i32
    %dma_start3A_305 = arith.constant 0 : i32
    %dma_start3A_306 = tpu.memref_slice %arg5[%dma_start3A_304, %dma_start3A_305] : memref<512x128xf32, #tpu.memory_space<vmem>> -> memref<128x128xf32, #tpu.memory_space<vmem>>
    %dma_start3A_307 = arith.constant 256 : i32
    %dma_start3A_308 = tpu.memref_slice %arg4[%dma_start3A_307] : memref<512xi32, #tpu.memory_space<vmem>> -> memref<128xi32, #tpu.memory_space<vmem>>
    %dma_start3A_309 = arith.constant 0 : i32
    %dma_start3A_310 = arith.constant 0 : i32
    %dma_start3A_311 = tpu.memref_slice %arg2[%dma_start3A_309, %dma_start3A_310] : memref<2062x128xf32, #tpu.memory_space<hbm>> -> memref<2062x128xf32, #tpu.memory_space<hbm>>
    tpu.enqueue_indirect_dma source(%dma_start3A_311 : memref<2062x128xf32, #tpu.memory_space<hbm>>) target(%dma_start3A_306 : memref<128x128xf32, #tpu.memory_space<vmem>>) offsets(%dma_start3A_308 : memref<128xi32, #tpu.memory_space<vmem>>) semaphore(%arg6 : memref<!tpu.dma_semaphore, #tpu.memory_space<semaphore_mem>>)
    %dma_start3A_312 = arith.constant 384 : i32
    %dma_start3A_313 = arith.constant 0 : i32
    %dma_start3A_314 = tpu.memref_slice %arg5[%dma_start3A_312, %dma_start3A_313] : memref<512x128xf32, #tpu.memory_space<vmem>> -> memref<128x128xf32, #tpu.memory_space<vmem>>
    %dma_start3A_315 = arith.constant 384 : i32
    %dma_start3A_316 = tpu.memref_slice %arg4[%dma_start3A_315] : memref<512xi32, #tpu.memory_space<vmem>> -> memref<128xi32, #tpu.memory_space<vmem>>
    %dma_start3A_317 = arith.constant 0 : i32
    %dma_start3A_318 = arith.constant 0 : i32
    %dma_start3A_319 = tpu.memref_slice %arg2[%dma_start3A_317, %dma_start3A_318] : memref<2062x128xf32, #tpu.memory_space<hbm>> -> memref<2062x128xf32, #tpu.memory_space<hbm>>
    tpu.enqueue_indirect_dma source(%dma_start3A_319 : memref<2062x128xf32, #tpu.memory_space<hbm>>) target(%dma_start3A_314 : memref<128x128xf32, #tpu.memory_space<vmem>>) offsets(%dma_start3A_316 : memref<128xi32, #tpu.memory_space<vmem>>) semaphore(%arg6 : memref<!tpu.dma_semaphore, #tpu.memory_space<semaphore_mem>>)
    %dma_wait3A = arith.constant 0 : i32
    %dma_wait3A_320 = arith.constant 0 : i32
    %dma_wait3A_321 = tpu.memref_slice %arg5[%dma_wait3A, %dma_wait3A_320] : memref<512x128xf32, #tpu.memory_space<vmem>> -> memref<128x128xf32, #tpu.memory_space<vmem>>
    %dma_wait3A_322 = arith.constant 0 : i32
    %dma_wait3A_323 = tpu.memref_slice %arg4[%dma_wait3A_322] : memref<512xi32, #tpu.memory_space<vmem>> -> memref<128xi32, #tpu.memory_space<vmem>>
    %dma_wait3A_324 = arith.constant 0 : i32
    %dma_wait3A_325 = arith.constant 0 : i32
    %dma_wait3A_326 = tpu.memref_slice %arg2[%dma_wait3A_324, %dma_wait3A_325] : memref<2062x128xf32, #tpu.memory_space<hbm>> -> memref<2062x128xf32, #tpu.memory_space<hbm>>
    tpu.wait_indirect_dma semaphore(%arg6 : memref<!tpu.dma_semaphore, #tpu.memory_space<semaphore_mem>>) src(%dma_wait3A_326 : memref<2062x128xf32, #tpu.memory_space<hbm>>) dst(%dma_wait3A_321 : memref<128x128xf32, #tpu.memory_space<vmem>>)
    %dma_wait3A_327 = arith.constant 128 : i32
    %dma_wait3A_328 = arith.constant 0 : i32
    %dma_wait3A_329 = tpu.memref_slice %arg5[%dma_wait3A_327, %dma_wait3A_328] : memref<512x128xf32, #tpu.memory_space<vmem>> -> memref<128x128xf32, #tpu.memory_space<vmem>>
    %dma_wait3A_330 = arith.constant 128 : i32
    %dma_wait3A_331 = tpu.memref_slice %arg4[%dma_wait3A_330] : memref<512xi32, #tpu.memory_space<vmem>> -> memref<128xi32, #tpu.memory_space<vmem>>
    %dma_wait3A_332 = arith.constant 0 : i32
    %dma_wait3A_333 = arith.constant 0 : i32
    %dma_wait3A_334 = tpu.memref_slice %arg2[%dma_wait3A_332, %dma_wait3A_333] : memref<2062x128xf32, #tpu.memory_space<hbm>> -> memref<2062x128xf32, #tpu.memory_space<hbm>>
    tpu.wait_indirect_dma semaphore(%arg6 : memref<!tpu.dma_semaphore, #tpu.memory_space<semaphore_mem>>) src(%dma_wait3A_334 : memref<2062x128xf32, #tpu.memory_space<hbm>>) dst(%dma_wait3A_329 : memref<128x128xf32, #tpu.memory_space<vmem>>)
    %dma_wait3A_335 = arith.constant 256 : i32
    %dma_wait3A_336 = arith.constant 0 : i32
    %dma_wait3A_337 = tpu.memref_slice %arg5[%dma_wait3A_335, %dma_wait3A_336] : memref<512x128xf32, #tpu.memory_space<vmem>> -> memref<128x128xf32, #tpu.memory_space<vmem>>
    %dma_wait3A_338 = arith.constant 256 : i32
    %dma_wait3A_339 = tpu.memref_slice %arg4[%dma_wait3A_338] : memref<512xi32, #tpu.memory_space<vmem>> -> memref<128xi32, #tpu.memory_space<vmem>>
    %dma_wait3A_340 = arith.constant 0 : i32
    %dma_wait3A_341 = arith.constant 0 : i32
    %dma_wait3A_342 = tpu.memref_slice %arg2[%dma_wait3A_340, %dma_wait3A_341] : memref<2062x128xf32, #tpu.memory_space<hbm>> -> memref<2062x128xf32, #tpu.memory_space<hbm>>
    tpu.wait_indirect_dma semaphore(%arg6 : memref<!tpu.dma_semaphore, #tpu.memory_space<semaphore_mem>>) src(%dma_wait3A_342 : memref<2062x128xf32, #tpu.memory_space<hbm>>) dst(%dma_wait3A_337 : memref<128x128xf32, #tpu.memory_space<vmem>>)
    %dma_wait3A_343 = arith.constant 384 : i32
    %dma_wait3A_344 = arith.constant 0 : i32
    %dma_wait3A_345 = tpu.memref_slice %arg5[%dma_wait3A_343, %dma_wait3A_344] : memref<512x128xf32, #tpu.memory_space<vmem>> -> memref<128x128xf32, #tpu.memory_space<vmem>>
    %dma_wait3A_346 = arith.constant 384 : i32
    %dma_wait3A_347 = tpu.memref_slice %arg4[%dma_wait3A_346] : memref<512xi32, #tpu.memory_space<vmem>> -> memref<128xi32, #tpu.memory_space<vmem>>
    %dma_wait3A_348 = arith.constant 0 : i32
    %dma_wait3A_349 = arith.constant 0 : i32
    %dma_wait3A_350 = tpu.memref_slice %arg2[%dma_wait3A_348, %dma_wait3A_349] : memref<2062x128xf32, #tpu.memory_space<hbm>> -> memref<2062x128xf32, #tpu.memory_space<hbm>>
    tpu.wait_indirect_dma semaphore(%arg6 : memref<!tpu.dma_semaphore, #tpu.memory_space<semaphore_mem>>) src(%dma_wait3A_350 : memref<2062x128xf32, #tpu.memory_space<hbm>>) dst(%dma_wait3A_345 : memref<128x128xf32, #tpu.memory_space<vmem>>)
    %mul3A_351 = arith.constant 512 : i32
    %mul3A_352 = arith.muli %add3A, %mul3A_351 : i32
    "tpu.region"() ({
      %run_scoped3A = tpu.sem_alloc : memref<!tpu.dma_semaphore, #tpu.memory_space<semaphore_mem>>
      %dma_start3A_353 = arith.constant 0 : i32
      %dma_start3A_354 = tpu.memref_slice %arg3[%mul3A_352, %dma_start3A_353] : memref<16384x128xf32, #tpu.memory_space<hbm>> -> memref<512x128xf32, #tpu.memory_space<hbm>>
      %dma_start3A_355 = arith.constant 0 : i32
      %dma_start3A_356 = tpu.memref_slice %arg3[%mul3A_352, %dma_start3A_355] : memref<16384x128xf32, #tpu.memory_space<hbm>> -> memref<512x128xf32, #tpu.memory_space<hbm>>
      tpu.enqueue_dma source(%arg5 : memref<512x128xf32, #tpu.memory_space<vmem>>) target(%dma_start3A_356 : memref<512x128xf32, #tpu.memory_space<hbm>>) target_semaphore(%run_scoped3A : memref<!tpu.dma_semaphore, #tpu.memory_space<semaphore_mem>>)
      %dma_wait3A_357 = arith.constant 0 : i32
      %dma_wait3A_358 = tpu.memref_slice %arg3[%mul3A_352, %dma_wait3A_357] : memref<16384x128xf32, #tpu.memory_space<hbm>> -> memref<512x128xf32, #tpu.memory_space<hbm>>
      %dma_wait3A_359 = arith.constant 0 : i32
      %dma_wait3A_360 = tpu.memref_slice %arg3[%mul3A_352, %dma_wait3A_359] : memref<16384x128xf32, #tpu.memory_space<hbm>> -> memref<512x128xf32, #tpu.memory_space<hbm>>
      tpu.wait_dma2 semaphore(%run_scoped3A : memref<!tpu.dma_semaphore, #tpu.memory_space<semaphore_mem>>) src(%arg5 : memref<512x128xf32, #tpu.memory_space<vmem>>) dst(%dma_wait3A_360 : memref<512x128xf32, #tpu.memory_space<hbm>>)
      tpu.yield
    }) : () -> ()
    return
  }
}

module attributes {stable_mosaic.version = 14 : i64} {
  func.func @body(%arg0: i32, %arg1: memref<1024x2x8x128xf32, #tpu.memory_space<vmem>>, %arg2: memref<8x512x256xf32, #tpu.memory_space<vmem>>) attributes {dimension_semantics = [#tpu.dimension_semantics<arbitrary>], iteration_bounds = array<i64: 64>, scalar_prefetch = 0 : i64, scratch_operands = 0 : i64, tpu.core_type = #tpu.core_type<tc>, window_params = [{pipeline_mode = #tpu.pipeline_mode<synchronous>, transform_indices = @transform_0, window_bounds = array<i64: 1024, 2, 8, 128>}, {transform_indices = @transform_1, window_bounds = array<i64: 8, 512, 256>}]} {
    %mul3A = arith.constant 8 : i32
    %mul3A_0 = arith.muli %arg0, %mul3A : i32
    %add3A = arith.constant 0 : i32
    %add3A_1 = arith.addi %mul3A_0, %add3A : i32
    %sub3A = arith.constant 511 : i32
    %sub3A_2 = arith.subi %sub3A, %add3A_1 : i32
    %rem3A = arith.constant 8 : i32
    %rem3A_3 = arith.remsi %sub3A_2, %rem3A : i32
    %mul3A_4 = arith.constant 1023 : i32
    %mul3A_5 = arith.muli %mul3A_4, %rem3A_3 : i32
    %add3A_6 = arith.addi %mul3A_5, %sub3A_2 : i32
    %multiple_of3A = tpu.assume_multiple %add3A_6, 8 : i32
    %jit3A = arith.constant 8 : i32
    %div3A = arith.divsi %multiple_of3A, %jit3A : i32
    %sign3A = arith.constant 0 : i32
    %sign3A_7 = arith.cmpi sgt, %multiple_of3A, %sign3A : i32
    %sign3A_8 = arith.extui %sign3A_7 : i1 to i32
    %sign3A_9 = arith.constant 0 : i32
    %sign3A_10 = arith.cmpi slt, %multiple_of3A, %sign3A_9 : i32
    %sign3A_11 = arith.extui %sign3A_10 : i1 to i32
    %sign3A_12 = arith.subi %sign3A_8, %sign3A_11 : i32
    %sign3A_13 = arith.constant 0 : i32
    %sign3A_14 = arith.cmpi sgt, %jit3A, %sign3A_13 : i32
    %sign3A_15 = arith.extui %sign3A_14 : i1 to i32
    %sign3A_16 = arith.constant 0 : i32
    %sign3A_17 = arith.cmpi slt, %jit3A, %sign3A_16 : i32
    %sign3A_18 = arith.extui %sign3A_17 : i1 to i32
    %sign3A_19 = arith.subi %sign3A_15, %sign3A_18 : i32
    %ne3A = arith.cmpi ne, %sign3A_12, %sign3A_19 : i32
    %rem3A_20 = arith.remsi %multiple_of3A, %jit3A : i32
    %ne3A_21 = arith.constant 0 : i32
    %ne3A_22 = arith.cmpi ne, %rem3A_20, %ne3A_21 : i32
    %and3A = arith.andi %ne3A, %ne3A_22 : i1
    %sub3A_23 = arith.constant 1 : i32
    %sub3A_24 = arith.subi %div3A, %sub3A_23 : i32
    %select_n3A = arith.select %and3A, %sub3A_24, %div3A : i32
    %get3A = arith.index_cast %select_n3A : i32 to index
    %get3A_25 = arith.constant 0 : index
    %get3A_26 = arith.constant 0 : index
    %get3A_27 = arith.constant 0 : index
    %get3A_28 = vector.load %arg1[%get3A, %get3A_25, %get3A_26, %get3A_27] : memref<1024x2x8x128xf32, #tpu.memory_space<vmem>>, vector<64x1x8x128xf32>
    %get3A_29 = vector.shape_cast %get3A_28 : vector<64x1x8x128xf32> to vector<64x8x128xf32>
    %reshape3A = vector.shape_cast %get3A_29 : vector<64x8x128xf32> to vector<512x128xf32>
    %swap3A = arith.constant 0 : index
    %swap3A_30 = arith.constant 0 : index
    %swap3A_31 = arith.constant 0 : index
    %swap3A_32 = vector.load %arg2[%swap3A, %swap3A_30, %swap3A_31] : memref<8x512x256xf32, #tpu.memory_space<vmem>>, vector<1x512x128xf32>
    %swap3A_33 = vector.shape_cast %swap3A_32 : vector<1x512x128xf32> to vector<512x128xf32>
    %swap3A_34 = vector.shape_cast %reshape3A : vector<512x128xf32> to vector<1x512x128xf32>
    tpu.vector_store %arg2[%swap3A, %swap3A_30, %swap3A_31], %swap3A_34 {strides = array<i32>} : memref<8x512x256xf32, #tpu.memory_space<vmem>>, vector<1x512x128xf32>,
    %get3A_35 = arith.index_cast %select_n3A : i32 to index
    %get3A_36 = arith.constant 1 : index
    %get3A_37 = arith.constant 0 : index
    %get3A_38 = arith.constant 0 : index
    %get3A_39 = vector.load %arg1[%get3A_35, %get3A_36, %get3A_37, %get3A_38] : memref<1024x2x8x128xf32, #tpu.memory_space<vmem>>, vector<64x1x8x128xf32>
    %get3A_40 = vector.shape_cast %get3A_39 : vector<64x1x8x128xf32> to vector<64x8x128xf32>
    %reshape3A_41 = vector.shape_cast %get3A_40 : vector<64x8x128xf32> to vector<512x128xf32>
    %swap3A_42 = arith.constant 0 : index
    %swap3A_43 = arith.constant 0 : index
    %swap3A_44 = arith.constant 128 : index
    %swap3A_45 = vector.load %arg2[%swap3A_42, %swap3A_43, %swap3A_44] : memref<8x512x256xf32, #tpu.memory_space<vmem>>, vector<1x512x128xf32>
    %swap3A_46 = vector.shape_cast %swap3A_45 : vector<1x512x128xf32> to vector<512x128xf32>
    %swap3A_47 = vector.shape_cast %reshape3A_41 : vector<512x128xf32> to vector<1x512x128xf32>
    tpu.vector_store %arg2[%swap3A_42, %swap3A_43, %swap3A_44], %swap3A_47 {strides = array<i32>} : memref<8x512x256xf32, #tpu.memory_space<vmem>>, vector<1x512x128xf32>,
    %mul3A_48 = arith.constant 8 : i32
    %mul3A_49 = arith.muli %arg0, %mul3A_48 : i32
    %add3A_50 = arith.constant 1 : i32
    %add3A_51 = arith.addi %mul3A_49, %add3A_50 : i32
    %sub3A_52 = arith.constant 511 : i32
    %sub3A_53 = arith.subi %sub3A_52, %add3A_51 : i32
    %rem3A_54 = arith.constant 8 : i32
    %rem3A_55 = arith.remsi %sub3A_53, %rem3A_54 : i32
    %mul3A_56 = arith.constant 1023 : i32
    %mul3A_57 = arith.muli %mul3A_56, %rem3A_55 : i32
    %add3A_58 = arith.addi %mul3A_57, %sub3A_53 : i32
    %multiple_of3A_59 = tpu.assume_multiple %add3A_58, 8 : i32
    %jit3A_60 = arith.constant 8 : i32
    %div3A_61 = arith.divsi %multiple_of3A_59, %jit3A_60 : i32
    %sign3A_62 = arith.constant 0 : i32
    %sign3A_63 = arith.cmpi sgt, %multiple_of3A_59, %sign3A_62 : i32
    %sign3A_64 = arith.extui %sign3A_63 : i1 to i32
    %sign3A_65 = arith.constant 0 : i32
    %sign3A_66 = arith.cmpi slt, %multiple_of3A_59, %sign3A_65 : i32
    %sign3A_67 = arith.extui %sign3A_66 : i1 to i32
    %sign3A_68 = arith.subi %sign3A_64, %sign3A_67 : i32
    %sign3A_69 = arith.constant 0 : i32
    %sign3A_70 = arith.cmpi sgt, %jit3A_60, %sign3A_69 : i32
    %sign3A_71 = arith.extui %sign3A_70 : i1 to i32
    %sign3A_72 = arith.constant 0 : i32
    %sign3A_73 = arith.cmpi slt, %jit3A_60, %sign3A_72 : i32
    %sign3A_74 = arith.extui %sign3A_73 : i1 to i32
    %sign3A_75 = arith.subi %sign3A_71, %sign3A_74 : i32
    %ne3A_76 = arith.cmpi ne, %sign3A_68, %sign3A_75 : i32
    %rem3A_77 = arith.remsi %multiple_of3A_59, %jit3A_60 : i32
    %ne3A_78 = arith.constant 0 : i32
    %ne3A_79 = arith.cmpi ne, %rem3A_77, %ne3A_78 : i32
    %and3A_80 = arith.andi %ne3A_76, %ne3A_79 : i1
    %sub3A_81 = arith.constant 1 : i32
    %sub3A_82 = arith.subi %div3A_61, %sub3A_81 : i32
    %select_n3A_83 = arith.select %and3A_80, %sub3A_82, %div3A_61 : i32
    %get3A_84 = arith.index_cast %select_n3A_83 : i32 to index
    %get3A_85 = arith.constant 0 : index
    %get3A_86 = arith.constant 0 : index
    %get3A_87 = arith.constant 0 : index
    %get3A_88 = vector.load %arg1[%get3A_84, %get3A_85, %get3A_86, %get3A_87] : memref<1024x2x8x128xf32, #tpu.memory_space<vmem>>, vector<64x1x8x128xf32>
    %get3A_89 = vector.shape_cast %get3A_88 : vector<64x1x8x128xf32> to vector<64x8x128xf32>
    %reshape3A_90 = vector.shape_cast %get3A_89 : vector<64x8x128xf32> to vector<512x128xf32>
    %swap3A_91 = arith.constant 1 : index
    %swap3A_92 = arith.constant 0 : index
    %swap3A_93 = arith.constant 0 : index
    %swap3A_94 = vector.load %arg2[%swap3A_91, %swap3A_92, %swap3A_93] : memref<8x512x256xf32, #tpu.memory_space<vmem>>, vector<1x512x128xf32>
    %swap3A_95 = vector.shape_cast %swap3A_94 : vector<1x512x128xf32> to vector<512x128xf32>
    %swap3A_96 = vector.shape_cast %reshape3A_90 : vector<512x128xf32> to vector<1x512x128xf32>
    tpu.vector_store %arg2[%swap3A_91, %swap3A_92, %swap3A_93], %swap3A_96 {strides = array<i32>} : memref<8x512x256xf32, #tpu.memory_space<vmem>>, vector<1x512x128xf32>,
    %get3A_97 = arith.index_cast %select_n3A_83 : i32 to index
    %get3A_98 = arith.constant 1 : index
    %get3A_99 = arith.constant 0 : index
    %get3A_100 = arith.constant 0 : index
    %get3A_101 = vector.load %arg1[%get3A_97, %get3A_98, %get3A_99, %get3A_100] : memref<1024x2x8x128xf32, #tpu.memory_space<vmem>>, vector<64x1x8x128xf32>
    %get3A_102 = vector.shape_cast %get3A_101 : vector<64x1x8x128xf32> to vector<64x8x128xf32>
    %reshape3A_103 = vector.shape_cast %get3A_102 : vector<64x8x128xf32> to vector<512x128xf32>
    %swap3A_104 = arith.constant 1 : index
    %swap3A_105 = arith.constant 0 : index
    %swap3A_106 = arith.constant 128 : index
    %swap3A_107 = vector.load %arg2[%swap3A_104, %swap3A_105, %swap3A_106] : memref<8x512x256xf32, #tpu.memory_space<vmem>>, vector<1x512x128xf32>
    %swap3A_108 = vector.shape_cast %swap3A_107 : vector<1x512x128xf32> to vector<512x128xf32>
    %swap3A_109 = vector.shape_cast %reshape3A_103 : vector<512x128xf32> to vector<1x512x128xf32>
    tpu.vector_store %arg2[%swap3A_104, %swap3A_105, %swap3A_106], %swap3A_109 {strides = array<i32>} : memref<8x512x256xf32, #tpu.memory_space<vmem>>, vector<1x512x128xf32>,
    %mul3A_110 = arith.constant 8 : i32
    %mul3A_111 = arith.muli %arg0, %mul3A_110 : i32
    %add3A_112 = arith.constant 2 : i32
    %add3A_113 = arith.addi %mul3A_111, %add3A_112 : i32
    %sub3A_114 = arith.constant 511 : i32
    %sub3A_115 = arith.subi %sub3A_114, %add3A_113 : i32
    %rem3A_116 = arith.constant 8 : i32
    %rem3A_117 = arith.remsi %sub3A_115, %rem3A_116 : i32
    %mul3A_118 = arith.constant 1023 : i32
    %mul3A_119 = arith.muli %mul3A_118, %rem3A_117 : i32
    %add3A_120 = arith.addi %mul3A_119, %sub3A_115 : i32
    %multiple_of3A_121 = tpu.assume_multiple %add3A_120, 8 : i32
    %jit3A_122 = arith.constant 8 : i32
    %div3A_123 = arith.divsi %multiple_of3A_121, %jit3A_122 : i32
    %sign3A_124 = arith.constant 0 : i32
    %sign3A_125 = arith.cmpi sgt, %multiple_of3A_121, %sign3A_124 : i32
    %sign3A_126 = arith.extui %sign3A_125 : i1 to i32
    %sign3A_127 = arith.constant 0 : i32
    %sign3A_128 = arith.cmpi slt, %multiple_of3A_121, %sign3A_127 : i32
    %sign3A_129 = arith.extui %sign3A_128 : i1 to i32
    %sign3A_130 = arith.subi %sign3A_126, %sign3A_129 : i32
    %sign3A_131 = arith.constant 0 : i32
    %sign3A_132 = arith.cmpi sgt, %jit3A_122, %sign3A_131 : i32
    %sign3A_133 = arith.extui %sign3A_132 : i1 to i32
    %sign3A_134 = arith.constant 0 : i32
    %sign3A_135 = arith.cmpi slt, %jit3A_122, %sign3A_134 : i32
    %sign3A_136 = arith.extui %sign3A_135 : i1 to i32
    %sign3A_137 = arith.subi %sign3A_133, %sign3A_136 : i32
    %ne3A_138 = arith.cmpi ne, %sign3A_130, %sign3A_137 : i32
    %rem3A_139 = arith.remsi %multiple_of3A_121, %jit3A_122 : i32
    %ne3A_140 = arith.constant 0 : i32
    %ne3A_141 = arith.cmpi ne, %rem3A_139, %ne3A_140 : i32
    %and3A_142 = arith.andi %ne3A_138, %ne3A_141 : i1
    %sub3A_143 = arith.constant 1 : i32
    %sub3A_144 = arith.subi %div3A_123, %sub3A_143 : i32
    %select_n3A_145 = arith.select %and3A_142, %sub3A_144, %div3A_123 : i32
    %get3A_146 = arith.index_cast %select_n3A_145 : i32 to index
    %get3A_147 = arith.constant 0 : index
    %get3A_148 = arith.constant 0 : index
    %get3A_149 = arith.constant 0 : index
    %get3A_150 = vector.load %arg1[%get3A_146, %get3A_147, %get3A_148, %get3A_149] : memref<1024x2x8x128xf32, #tpu.memory_space<vmem>>, vector<64x1x8x128xf32>
    %get3A_151 = vector.shape_cast %get3A_150 : vector<64x1x8x128xf32> to vector<64x8x128xf32>
    %reshape3A_152 = vector.shape_cast %get3A_151 : vector<64x8x128xf32> to vector<512x128xf32>
    %swap3A_153 = arith.constant 2 : index
    %swap3A_154 = arith.constant 0 : index
    %swap3A_155 = arith.constant 0 : index
    %swap3A_156 = vector.load %arg2[%swap3A_153, %swap3A_154, %swap3A_155] : memref<8x512x256xf32, #tpu.memory_space<vmem>>, vector<1x512x128xf32>
    %swap3A_157 = vector.shape_cast %swap3A_156 : vector<1x512x128xf32> to vector<512x128xf32>
    %swap3A_158 = vector.shape_cast %reshape3A_152 : vector<512x128xf32> to vector<1x512x128xf32>
    tpu.vector_store %arg2[%swap3A_153, %swap3A_154, %swap3A_155], %swap3A_158 {strides = array<i32>} : memref<8x512x256xf32, #tpu.memory_space<vmem>>, vector<1x512x128xf32>,
    %get3A_159 = arith.index_cast %select_n3A_145 : i32 to index
    %get3A_160 = arith.constant 1 : index
    %get3A_161 = arith.constant 0 : index
    %get3A_162 = arith.constant 0 : index
    %get3A_163 = vector.load %arg1[%get3A_159, %get3A_160, %get3A_161, %get3A_162] : memref<1024x2x8x128xf32, #tpu.memory_space<vmem>>, vector<64x1x8x128xf32>
    %get3A_164 = vector.shape_cast %get3A_163 : vector<64x1x8x128xf32> to vector<64x8x128xf32>
    %reshape3A_165 = vector.shape_cast %get3A_164 : vector<64x8x128xf32> to vector<512x128xf32>
    %swap3A_166 = arith.constant 2 : index
    %swap3A_167 = arith.constant 0 : index
    %swap3A_168 = arith.constant 128 : index
    %swap3A_169 = vector.load %arg2[%swap3A_166, %swap3A_167, %swap3A_168] : memref<8x512x256xf32, #tpu.memory_space<vmem>>, vector<1x512x128xf32>
    %swap3A_170 = vector.shape_cast %swap3A_169 : vector<1x512x128xf32> to vector<512x128xf32>
    %swap3A_171 = vector.shape_cast %reshape3A_165 : vector<512x128xf32> to vector<1x512x128xf32>
    tpu.vector_store %arg2[%swap3A_166, %swap3A_167, %swap3A_168], %swap3A_171 {strides = array<i32>} : memref<8x512x256xf32, #tpu.memory_space<vmem>>, vector<1x512x128xf32>,
    %mul3A_172 = arith.constant 8 : i32
    %mul3A_173 = arith.muli %arg0, %mul3A_172 : i32
    %add3A_174 = arith.constant 3 : i32
    %add3A_175 = arith.addi %mul3A_173, %add3A_174 : i32
    %sub3A_176 = arith.constant 511 : i32
    %sub3A_177 = arith.subi %sub3A_176, %add3A_175 : i32
    %rem3A_178 = arith.constant 8 : i32
    %rem3A_179 = arith.remsi %sub3A_177, %rem3A_178 : i32
    %mul3A_180 = arith.constant 1023 : i32
    %mul3A_181 = arith.muli %mul3A_180, %rem3A_179 : i32
    %add3A_182 = arith.addi %mul3A_181, %sub3A_177 : i32
    %multiple_of3A_183 = tpu.assume_multiple %add3A_182, 8 : i32
    %jit3A_184 = arith.constant 8 : i32
    %div3A_185 = arith.divsi %multiple_of3A_183, %jit3A_184 : i32
    %sign3A_186 = arith.constant 0 : i32
    %sign3A_187 = arith.cmpi sgt, %multiple_of3A_183, %sign3A_186 : i32
    %sign3A_188 = arith.extui %sign3A_187 : i1 to i32
    %sign3A_189 = arith.constant 0 : i32
    %sign3A_190 = arith.cmpi slt, %multiple_of3A_183, %sign3A_189 : i32
    %sign3A_191 = arith.extui %sign3A_190 : i1 to i32
    %sign3A_192 = arith.subi %sign3A_188, %sign3A_191 : i32
    %sign3A_193 = arith.constant 0 : i32
    %sign3A_194 = arith.cmpi sgt, %jit3A_184, %sign3A_193 : i32
    %sign3A_195 = arith.extui %sign3A_194 : i1 to i32
    %sign3A_196 = arith.constant 0 : i32
    %sign3A_197 = arith.cmpi slt, %jit3A_184, %sign3A_196 : i32
    %sign3A_198 = arith.extui %sign3A_197 : i1 to i32
    %sign3A_199 = arith.subi %sign3A_195, %sign3A_198 : i32
    %ne3A_200 = arith.cmpi ne, %sign3A_192, %sign3A_199 : i32
    %rem3A_201 = arith.remsi %multiple_of3A_183, %jit3A_184 : i32
    %ne3A_202 = arith.constant 0 : i32
    %ne3A_203 = arith.cmpi ne, %rem3A_201, %ne3A_202 : i32
    %and3A_204 = arith.andi %ne3A_200, %ne3A_203 : i1
    %sub3A_205 = arith.constant 1 : i32
    %sub3A_206 = arith.subi %div3A_185, %sub3A_205 : i32
    %select_n3A_207 = arith.select %and3A_204, %sub3A_206, %div3A_185 : i32
    %get3A_208 = arith.index_cast %select_n3A_207 : i32 to index
    %get3A_209 = arith.constant 0 : index
    %get3A_210 = arith.constant 0 : index
    %get3A_211 = arith.constant 0 : index
    %get3A_212 = vector.load %arg1[%get3A_208, %get3A_209, %get3A_210, %get3A_211] : memref<1024x2x8x128xf32, #tpu.memory_space<vmem>>, vector<64x1x8x128xf32>
    %get3A_213 = vector.shape_cast %get3A_212 : vector<64x1x8x128xf32> to vector<64x8x128xf32>
    %reshape3A_214 = vector.shape_cast %get3A_213 : vector<64x8x128xf32> to vector<512x128xf32>
    %swap3A_215 = arith.constant 3 : index
    %swap3A_216 = arith.constant 0 : index
    %swap3A_217 = arith.constant 0 : index
    %swap3A_218 = vector.load %arg2[%swap3A_215, %swap3A_216, %swap3A_217] : memref<8x512x256xf32, #tpu.memory_space<vmem>>, vector<1x512x128xf32>
    %swap3A_219 = vector.shape_cast %swap3A_218 : vector<1x512x128xf32> to vector<512x128xf32>
    %swap3A_220 = vector.shape_cast %reshape3A_214 : vector<512x128xf32> to vector<1x512x128xf32>
    tpu.vector_store %arg2[%swap3A_215, %swap3A_216, %swap3A_217], %swap3A_220 {strides = array<i32>} : memref<8x512x256xf32, #tpu.memory_space<vmem>>, vector<1x512x128xf32>,
    %get3A_221 = arith.index_cast %select_n3A_207 : i32 to index
    %get3A_222 = arith.constant 1 : index
    %get3A_223 = arith.constant 0 : index
    %get3A_224 = arith.constant 0 : index
    %get3A_225 = vector.load %arg1[%get3A_221, %get3A_222, %get3A_223, %get3A_224] : memref<1024x2x8x128xf32, #tpu.memory_space<vmem>>, vector<64x1x8x128xf32>
    %get3A_226 = vector.shape_cast %get3A_225 : vector<64x1x8x128xf32> to vector<64x8x128xf32>
    %reshape3A_227 = vector.shape_cast %get3A_226 : vector<64x8x128xf32> to vector<512x128xf32>
    %swap3A_228 = arith.constant 3 : index
    %swap3A_229 = arith.constant 0 : index
    %swap3A_230 = arith.constant 128 : index
    %swap3A_231 = vector.load %arg2[%swap3A_228, %swap3A_229, %swap3A_230] : memref<8x512x256xf32, #tpu.memory_space<vmem>>, vector<1x512x128xf32>
    %swap3A_232 = vector.shape_cast %swap3A_231 : vector<1x512x128xf32> to vector<512x128xf32>
    %swap3A_233 = vector.shape_cast %reshape3A_227 : vector<512x128xf32> to vector<1x512x128xf32>
    tpu.vector_store %arg2[%swap3A_228, %swap3A_229, %swap3A_230], %swap3A_233 {strides = array<i32>} : memref<8x512x256xf32, #tpu.memory_space<vmem>>, vector<1x512x128xf32>,
    %mul3A_234 = arith.constant 8 : i32
    %mul3A_235 = arith.muli %arg0, %mul3A_234 : i32
    %add3A_236 = arith.constant 4 : i32
    %add3A_237 = arith.addi %mul3A_235, %add3A_236 : i32
    %sub3A_238 = arith.constant 511 : i32
    %sub3A_239 = arith.subi %sub3A_238, %add3A_237 : i32
    %rem3A_240 = arith.constant 8 : i32
    %rem3A_241 = arith.remsi %sub3A_239, %rem3A_240 : i32
    %mul3A_242 = arith.constant 1023 : i32
    %mul3A_243 = arith.muli %mul3A_242, %rem3A_241 : i32
    %add3A_244 = arith.addi %mul3A_243, %sub3A_239 : i32
    %multiple_of3A_245 = tpu.assume_multiple %add3A_244, 8 : i32
    %jit3A_246 = arith.constant 8 : i32
    %div3A_247 = arith.divsi %multiple_of3A_245, %jit3A_246 : i32
    %sign3A_248 = arith.constant 0 : i32
    %sign3A_249 = arith.cmpi sgt, %multiple_of3A_245, %sign3A_248 : i32
    %sign3A_250 = arith.extui %sign3A_249 : i1 to i32
    %sign3A_251 = arith.constant 0 : i32
    %sign3A_252 = arith.cmpi slt, %multiple_of3A_245, %sign3A_251 : i32
    %sign3A_253 = arith.extui %sign3A_252 : i1 to i32
    %sign3A_254 = arith.subi %sign3A_250, %sign3A_253 : i32
    %sign3A_255 = arith.constant 0 : i32
    %sign3A_256 = arith.cmpi sgt, %jit3A_246, %sign3A_255 : i32
    %sign3A_257 = arith.extui %sign3A_256 : i1 to i32
    %sign3A_258 = arith.constant 0 : i32
    %sign3A_259 = arith.cmpi slt, %jit3A_246, %sign3A_258 : i32
    %sign3A_260 = arith.extui %sign3A_259 : i1 to i32
    %sign3A_261 = arith.subi %sign3A_257, %sign3A_260 : i32
    %ne3A_262 = arith.cmpi ne, %sign3A_254, %sign3A_261 : i32
    %rem3A_263 = arith.remsi %multiple_of3A_245, %jit3A_246 : i32
    %ne3A_264 = arith.constant 0 : i32
    %ne3A_265 = arith.cmpi ne, %rem3A_263, %ne3A_264 : i32
    %and3A_266 = arith.andi %ne3A_262, %ne3A_265 : i1
    %sub3A_267 = arith.constant 1 : i32
    %sub3A_268 = arith.subi %div3A_247, %sub3A_267 : i32
    %select_n3A_269 = arith.select %and3A_266, %sub3A_268, %div3A_247 : i32
    %get3A_270 = arith.index_cast %select_n3A_269 : i32 to index
    %get3A_271 = arith.constant 0 : index
    %get3A_272 = arith.constant 0 : index
    %get3A_273 = arith.constant 0 : index
    %get3A_274 = vector.load %arg1[%get3A_270, %get3A_271, %get3A_272, %get3A_273] : memref<1024x2x8x128xf32, #tpu.memory_space<vmem>>, vector<64x1x8x128xf32>
    %get3A_275 = vector.shape_cast %get3A_274 : vector<64x1x8x128xf32> to vector<64x8x128xf32>
    %reshape3A_276 = vector.shape_cast %get3A_275 : vector<64x8x128xf32> to vector<512x128xf32>
    %swap3A_277 = arith.constant 4 : index
    %swap3A_278 = arith.constant 0 : index
    %swap3A_279 = arith.constant 0 : index
    %swap3A_280 = vector.load %arg2[%swap3A_277, %swap3A_278, %swap3A_279] : memref<8x512x256xf32, #tpu.memory_space<vmem>>, vector<1x512x128xf32>
    %swap3A_281 = vector.shape_cast %swap3A_280 : vector<1x512x128xf32> to vector<512x128xf32>
    %swap3A_282 = vector.shape_cast %reshape3A_276 : vector<512x128xf32> to vector<1x512x128xf32>
    tpu.vector_store %arg2[%swap3A_277, %swap3A_278, %swap3A_279], %swap3A_282 {strides = array<i32>} : memref<8x512x256xf32, #tpu.memory_space<vmem>>, vector<1x512x128xf32>,
    %get3A_283 = arith.index_cast %select_n3A_269 : i32 to index
    %get3A_284 = arith.constant 1 : index
    %get3A_285 = arith.constant 0 : index
    %get3A_286 = arith.constant 0 : index
    %get3A_287 = vector.load %arg1[%get3A_283, %get3A_284, %get3A_285, %get3A_286] : memref<1024x2x8x128xf32, #tpu.memory_space<vmem>>, vector<64x1x8x128xf32>
    %get3A_288 = vector.shape_cast %get3A_287 : vector<64x1x8x128xf32> to vector<64x8x128xf32>
    %reshape3A_289 = vector.shape_cast %get3A_288 : vector<64x8x128xf32> to vector<512x128xf32>
    %swap3A_290 = arith.constant 4 : index
    %swap3A_291 = arith.constant 0 : index
    %swap3A_292 = arith.constant 128 : index
    %swap3A_293 = vector.load %arg2[%swap3A_290, %swap3A_291, %swap3A_292] : memref<8x512x256xf32, #tpu.memory_space<vmem>>, vector<1x512x128xf32>
    %swap3A_294 = vector.shape_cast %swap3A_293 : vector<1x512x128xf32> to vector<512x128xf32>
    %swap3A_295 = vector.shape_cast %reshape3A_289 : vector<512x128xf32> to vector<1x512x128xf32>
    tpu.vector_store %arg2[%swap3A_290, %swap3A_291, %swap3A_292], %swap3A_295 {strides = array<i32>} : memref<8x512x256xf32, #tpu.memory_space<vmem>>, vector<1x512x128xf32>,
    %mul3A_296 = arith.constant 8 : i32
    %mul3A_297 = arith.muli %arg0, %mul3A_296 : i32
    %add3A_298 = arith.constant 5 : i32
    %add3A_299 = arith.addi %mul3A_297, %add3A_298 : i32
    %sub3A_300 = arith.constant 511 : i32
    %sub3A_301 = arith.subi %sub3A_300, %add3A_299 : i32
    %rem3A_302 = arith.constant 8 : i32
    %rem3A_303 = arith.remsi %sub3A_301, %rem3A_302 : i32
    %mul3A_304 = arith.constant 1023 : i32
    %mul3A_305 = arith.muli %mul3A_304, %rem3A_303 : i32
    %add3A_306 = arith.addi %mul3A_305, %sub3A_301 : i32
    %multiple_of3A_307 = tpu.assume_multiple %add3A_306, 8 : i32
    %jit3A_308 = arith.constant 8 : i32
    %div3A_309 = arith.divsi %multiple_of3A_307, %jit3A_308 : i32
    %sign3A_310 = arith.constant 0 : i32
    %sign3A_311 = arith.cmpi sgt, %multiple_of3A_307, %sign3A_310 : i32
    %sign3A_312 = arith.extui %sign3A_311 : i1 to i32
    %sign3A_313 = arith.constant 0 : i32
    %sign3A_314 = arith.cmpi slt, %multiple_of3A_307, %sign3A_313 : i32
    %sign3A_315 = arith.extui %sign3A_314 : i1 to i32
    %sign3A_316 = arith.subi %sign3A_312, %sign3A_315 : i32
    %sign3A_317 = arith.constant 0 : i32
    %sign3A_318 = arith.cmpi sgt, %jit3A_308, %sign3A_317 : i32
    %sign3A_319 = arith.extui %sign3A_318 : i1 to i32
    %sign3A_320 = arith.constant 0 : i32
    %sign3A_321 = arith.cmpi slt, %jit3A_308, %sign3A_320 : i32
    %sign3A_322 = arith.extui %sign3A_321 : i1 to i32
    %sign3A_323 = arith.subi %sign3A_319, %sign3A_322 : i32
    %ne3A_324 = arith.cmpi ne, %sign3A_316, %sign3A_323 : i32
    %rem3A_325 = arith.remsi %multiple_of3A_307, %jit3A_308 : i32
    %ne3A_326 = arith.constant 0 : i32
    %ne3A_327 = arith.cmpi ne, %rem3A_325, %ne3A_326 : i32
    %and3A_328 = arith.andi %ne3A_324, %ne3A_327 : i1
    %sub3A_329 = arith.constant 1 : i32
    %sub3A_330 = arith.subi %div3A_309, %sub3A_329 : i32
    %select_n3A_331 = arith.select %and3A_328, %sub3A_330, %div3A_309 : i32
    %get3A_332 = arith.index_cast %select_n3A_331 : i32 to index
    %get3A_333 = arith.constant 0 : index
    %get3A_334 = arith.constant 0 : index
    %get3A_335 = arith.constant 0 : index
    %get3A_336 = vector.load %arg1[%get3A_332, %get3A_333, %get3A_334, %get3A_335] : memref<1024x2x8x128xf32, #tpu.memory_space<vmem>>, vector<64x1x8x128xf32>
    %get3A_337 = vector.shape_cast %get3A_336 : vector<64x1x8x128xf32> to vector<64x8x128xf32>
    %reshape3A_338 = vector.shape_cast %get3A_337 : vector<64x8x128xf32> to vector<512x128xf32>
    %swap3A_339 = arith.constant 5 : index
    %swap3A_340 = arith.constant 0 : index
    %swap3A_341 = arith.constant 0 : index
    %swap3A_342 = vector.load %arg2[%swap3A_339, %swap3A_340, %swap3A_341] : memref<8x512x256xf32, #tpu.memory_space<vmem>>, vector<1x512x128xf32>
    %swap3A_343 = vector.shape_cast %swap3A_342 : vector<1x512x128xf32> to vector<512x128xf32>
    %swap3A_344 = vector.shape_cast %reshape3A_338 : vector<512x128xf32> to vector<1x512x128xf32>
    tpu.vector_store %arg2[%swap3A_339, %swap3A_340, %swap3A_341], %swap3A_344 {strides = array<i32>} : memref<8x512x256xf32, #tpu.memory_space<vmem>>, vector<1x512x128xf32>,
    %get3A_345 = arith.index_cast %select_n3A_331 : i32 to index
    %get3A_346 = arith.constant 1 : index
    %get3A_347 = arith.constant 0 : index
    %get3A_348 = arith.constant 0 : index
    %get3A_349 = vector.load %arg1[%get3A_345, %get3A_346, %get3A_347, %get3A_348] : memref<1024x2x8x128xf32, #tpu.memory_space<vmem>>, vector<64x1x8x128xf32>
    %get3A_350 = vector.shape_cast %get3A_349 : vector<64x1x8x128xf32> to vector<64x8x128xf32>
    %reshape3A_351 = vector.shape_cast %get3A_350 : vector<64x8x128xf32> to vector<512x128xf32>
    %swap3A_352 = arith.constant 5 : index
    %swap3A_353 = arith.constant 0 : index
    %swap3A_354 = arith.constant 128 : index
    %swap3A_355 = vector.load %arg2[%swap3A_352, %swap3A_353, %swap3A_354] : memref<8x512x256xf32, #tpu.memory_space<vmem>>, vector<1x512x128xf32>
    %swap3A_356 = vector.shape_cast %swap3A_355 : vector<1x512x128xf32> to vector<512x128xf32>
    %swap3A_357 = vector.shape_cast %reshape3A_351 : vector<512x128xf32> to vector<1x512x128xf32>
    tpu.vector_store %arg2[%swap3A_352, %swap3A_353, %swap3A_354], %swap3A_357 {strides = array<i32>} : memref<8x512x256xf32, #tpu.memory_space<vmem>>, vector<1x512x128xf32>,
    %mul3A_358 = arith.constant 8 : i32
    %mul3A_359 = arith.muli %arg0, %mul3A_358 : i32
    %add3A_360 = arith.constant 6 : i32
    %add3A_361 = arith.addi %mul3A_359, %add3A_360 : i32
    %sub3A_362 = arith.constant 511 : i32
    %sub3A_363 = arith.subi %sub3A_362, %add3A_361 : i32
    %rem3A_364 = arith.constant 8 : i32
    %rem3A_365 = arith.remsi %sub3A_363, %rem3A_364 : i32
    %mul3A_366 = arith.constant 1023 : i32
    %mul3A_367 = arith.muli %mul3A_366, %rem3A_365 : i32
    %add3A_368 = arith.addi %mul3A_367, %sub3A_363 : i32
    %multiple_of3A_369 = tpu.assume_multiple %add3A_368, 8 : i32
    %jit3A_370 = arith.constant 8 : i32
    %div3A_371 = arith.divsi %multiple_of3A_369, %jit3A_370 : i32
    %sign3A_372 = arith.constant 0 : i32
    %sign3A_373 = arith.cmpi sgt, %multiple_of3A_369, %sign3A_372 : i32
    %sign3A_374 = arith.extui %sign3A_373 : i1 to i32
    %sign3A_375 = arith.constant 0 : i32
    %sign3A_376 = arith.cmpi slt, %multiple_of3A_369, %sign3A_375 : i32
    %sign3A_377 = arith.extui %sign3A_376 : i1 to i32
    %sign3A_378 = arith.subi %sign3A_374, %sign3A_377 : i32
    %sign3A_379 = arith.constant 0 : i32
    %sign3A_380 = arith.cmpi sgt, %jit3A_370, %sign3A_379 : i32
    %sign3A_381 = arith.extui %sign3A_380 : i1 to i32
    %sign3A_382 = arith.constant 0 : i32
    %sign3A_383 = arith.cmpi slt, %jit3A_370, %sign3A_382 : i32
    %sign3A_384 = arith.extui %sign3A_383 : i1 to i32
    %sign3A_385 = arith.subi %sign3A_381, %sign3A_384 : i32
    %ne3A_386 = arith.cmpi ne, %sign3A_378, %sign3A_385 : i32
    %rem3A_387 = arith.remsi %multiple_of3A_369, %jit3A_370 : i32
    %ne3A_388 = arith.constant 0 : i32
    %ne3A_389 = arith.cmpi ne, %rem3A_387, %ne3A_388 : i32
    %and3A_390 = arith.andi %ne3A_386, %ne3A_389 : i1
    %sub3A_391 = arith.constant 1 : i32
    %sub3A_392 = arith.subi %div3A_371, %sub3A_391 : i32
    %select_n3A_393 = arith.select %and3A_390, %sub3A_392, %div3A_371 : i32
    %get3A_394 = arith.index_cast %select_n3A_393 : i32 to index
    %get3A_395 = arith.constant 0 : index
    %get3A_396 = arith.constant 0 : index
    %get3A_397 = arith.constant 0 : index
    %get3A_398 = vector.load %arg1[%get3A_394, %get3A_395, %get3A_396, %get3A_397] : memref<1024x2x8x128xf32, #tpu.memory_space<vmem>>, vector<64x1x8x128xf32>
    %get3A_399 = vector.shape_cast %get3A_398 : vector<64x1x8x128xf32> to vector<64x8x128xf32>
    %reshape3A_400 = vector.shape_cast %get3A_399 : vector<64x8x128xf32> to vector<512x128xf32>
    %swap3A_401 = arith.constant 6 : index
    %swap3A_402 = arith.constant 0 : index
    %swap3A_403 = arith.constant 0 : index
    %swap3A_404 = vector.load %arg2[%swap3A_401, %swap3A_402, %swap3A_403] : memref<8x512x256xf32, #tpu.memory_space<vmem>>, vector<1x512x128xf32>
    %swap3A_405 = vector.shape_cast %swap3A_404 : vector<1x512x128xf32> to vector<512x128xf32>
    %swap3A_406 = vector.shape_cast %reshape3A_400 : vector<512x128xf32> to vector<1x512x128xf32>
    tpu.vector_store %arg2[%swap3A_401, %swap3A_402, %swap3A_403], %swap3A_406 {strides = array<i32>} : memref<8x512x256xf32, #tpu.memory_space<vmem>>, vector<1x512x128xf32>,
    %get3A_407 = arith.index_cast %select_n3A_393 : i32 to index
    %get3A_408 = arith.constant 1 : index
    %get3A_409 = arith.constant 0 : index
    %get3A_410 = arith.constant 0 : index
    %get3A_411 = vector.load %arg1[%get3A_407, %get3A_408, %get3A_409, %get3A_410] : memref<1024x2x8x128xf32, #tpu.memory_space<vmem>>, vector<64x1x8x128xf32>
    %get3A_412 = vector.shape_cast %get3A_411 : vector<64x1x8x128xf32> to vector<64x8x128xf32>
    %reshape3A_413 = vector.shape_cast %get3A_412 : vector<64x8x128xf32> to vector<512x128xf32>
    %swap3A_414 = arith.constant 6 : index
    %swap3A_415 = arith.constant 0 : index
    %swap3A_416 = arith.constant 128 : index
    %swap3A_417 = vector.load %arg2[%swap3A_414, %swap3A_415, %swap3A_416] : memref<8x512x256xf32, #tpu.memory_space<vmem>>, vector<1x512x128xf32>
    %swap3A_418 = vector.shape_cast %swap3A_417 : vector<1x512x128xf32> to vector<512x128xf32>
    %swap3A_419 = vector.shape_cast %reshape3A_413 : vector<512x128xf32> to vector<1x512x128xf32>
    tpu.vector_store %arg2[%swap3A_414, %swap3A_415, %swap3A_416], %swap3A_419 {strides = array<i32>} : memref<8x512x256xf32, #tpu.memory_space<vmem>>, vector<1x512x128xf32>,
    %mul3A_420 = arith.constant 8 : i32
    %mul3A_421 = arith.muli %arg0, %mul3A_420 : i32
    %add3A_422 = arith.constant 7 : i32
    %add3A_423 = arith.addi %mul3A_421, %add3A_422 : i32
    %sub3A_424 = arith.constant 511 : i32
    %sub3A_425 = arith.subi %sub3A_424, %add3A_423 : i32
    %rem3A_426 = arith.constant 8 : i32
    %rem3A_427 = arith.remsi %sub3A_425, %rem3A_426 : i32
    %mul3A_428 = arith.constant 1023 : i32
    %mul3A_429 = arith.muli %mul3A_428, %rem3A_427 : i32
    %add3A_430 = arith.addi %mul3A_429, %sub3A_425 : i32
    %multiple_of3A_431 = tpu.assume_multiple %add3A_430, 8 : i32
    %jit3A_432 = arith.constant 8 : i32
    %div3A_433 = arith.divsi %multiple_of3A_431, %jit3A_432 : i32
    %sign3A_434 = arith.constant 0 : i32
    %sign3A_435 = arith.cmpi sgt, %multiple_of3A_431, %sign3A_434 : i32
    %sign3A_436 = arith.extui %sign3A_435 : i1 to i32
    %sign3A_437 = arith.constant 0 : i32
    %sign3A_438 = arith.cmpi slt, %multiple_of3A_431, %sign3A_437 : i32
    %sign3A_439 = arith.extui %sign3A_438 : i1 to i32
    %sign3A_440 = arith.subi %sign3A_436, %sign3A_439 : i32
    %sign3A_441 = arith.constant 0 : i32
    %sign3A_442 = arith.cmpi sgt, %jit3A_432, %sign3A_441 : i32
    %sign3A_443 = arith.extui %sign3A_442 : i1 to i32
    %sign3A_444 = arith.constant 0 : i32
    %sign3A_445 = arith.cmpi slt, %jit3A_432, %sign3A_444 : i32
    %sign3A_446 = arith.extui %sign3A_445 : i1 to i32
    %sign3A_447 = arith.subi %sign3A_443, %sign3A_446 : i32
    %ne3A_448 = arith.cmpi ne, %sign3A_440, %sign3A_447 : i32
    %rem3A_449 = arith.remsi %multiple_of3A_431, %jit3A_432 : i32
    %ne3A_450 = arith.constant 0 : i32
    %ne3A_451 = arith.cmpi ne, %rem3A_449, %ne3A_450 : i32
    %and3A_452 = arith.andi %ne3A_448, %ne3A_451 : i1
    %sub3A_453 = arith.constant 1 : i32
    %sub3A_454 = arith.subi %div3A_433, %sub3A_453 : i32
    %select_n3A_455 = arith.select %and3A_452, %sub3A_454, %div3A_433 : i32
    %get3A_456 = arith.index_cast %select_n3A_455 : i32 to index
    %get3A_457 = arith.constant 0 : index
    %get3A_458 = arith.constant 0 : index
    %get3A_459 = arith.constant 0 : index
    %get3A_460 = vector.load %arg1[%get3A_456, %get3A_457, %get3A_458, %get3A_459] : memref<1024x2x8x128xf32, #tpu.memory_space<vmem>>, vector<64x1x8x128xf32>
    %get3A_461 = vector.shape_cast %get3A_460 : vector<64x1x8x128xf32> to vector<64x8x128xf32>
    %reshape3A_462 = vector.shape_cast %get3A_461 : vector<64x8x128xf32> to vector<512x128xf32>
    %swap3A_463 = arith.constant 7 : index
    %swap3A_464 = arith.constant 0 : index
    %swap3A_465 = arith.constant 0 : index
    %swap3A_466 = vector.load %arg2[%swap3A_463, %swap3A_464, %swap3A_465] : memref<8x512x256xf32, #tpu.memory_space<vmem>>, vector<1x512x128xf32>
    %swap3A_467 = vector.shape_cast %swap3A_466 : vector<1x512x128xf32> to vector<512x128xf32>
    %swap3A_468 = vector.shape_cast %reshape3A_462 : vector<512x128xf32> to vector<1x512x128xf32>
    tpu.vector_store %arg2[%swap3A_463, %swap3A_464, %swap3A_465], %swap3A_468 {strides = array<i32>} : memref<8x512x256xf32, #tpu.memory_space<vmem>>, vector<1x512x128xf32>,
    %get3A_469 = arith.index_cast %select_n3A_455 : i32 to index
    %get3A_470 = arith.constant 1 : index
    %get3A_471 = arith.constant 0 : index
    %get3A_472 = arith.constant 0 : index
    %get3A_473 = vector.load %arg1[%get3A_469, %get3A_470, %get3A_471, %get3A_472] : memref<1024x2x8x128xf32, #tpu.memory_space<vmem>>, vector<64x1x8x128xf32>
    %get3A_474 = vector.shape_cast %get3A_473 : vector<64x1x8x128xf32> to vector<64x8x128xf32>
    %reshape3A_475 = vector.shape_cast %get3A_474 : vector<64x8x128xf32> to vector<512x128xf32>
    %swap3A_476 = arith.constant 7 : index
    %swap3A_477 = arith.constant 0 : index
    %swap3A_478 = arith.constant 128 : index
    %swap3A_479 = vector.load %arg2[%swap3A_476, %swap3A_477, %swap3A_478] : memref<8x512x256xf32, #tpu.memory_space<vmem>>, vector<1x512x128xf32>
    %swap3A_480 = vector.shape_cast %swap3A_479 : vector<1x512x128xf32> to vector<512x128xf32>
    %swap3A_481 = vector.shape_cast %reshape3A_475 : vector<512x128xf32> to vector<1x512x128xf32>
    tpu.vector_store %arg2[%swap3A_476, %swap3A_477, %swap3A_478], %swap3A_481 {strides = array<i32>} : memref<8x512x256xf32, #tpu.memory_space<vmem>>, vector<1x512x128xf32>,
    return
  }
  func.func @transform_0(%arg0: i32) -> (i32, i32, i32, i32) {
    %c0_i32 = arith.constant 0 : i32
    %c0_i32_0 = arith.constant 0 : i32
    %c0_i32_1 = arith.constant 0 : i32
    %c0_i32_2 = arith.constant 0 : i32
    %c0_i32_3 = arith.constant 0 : i32
    return %c0_i32, %c0_i32_0, %c0_i32_1, %c0_i32_2 : i32, i32, i32, i32
  }
  func.func @transform_1(%arg0: i32) -> (i32, i32, i32) {
    %c0_i32 = arith.constant 0 : i32
    %c0_i32_0 = arith.constant 0 : i32
    %c0_i32_1 = arith.constant 0 : i32
    return %arg0, %c0_i32, %c0_i32_0 : i32, i32, i32
  }
}

</mosaic_0001>

<sc_bundles>
// kernel: kernel.4.cloned.1.call-start
scs
__scs_entry_jumppad:
0x0: {  	(pc) =	sbr.rel $0x88, $3  }
0x1: {  	(tag) =	ssettag $0x0;
	lr =	simm.s32 $0x1  }
0x2: {  	[smem:$0x3FA0] =	sst lr;
	_ =	strace $0xD0000000  }
0x3: {  	_ = 	snop  }
0x4: {  	_ = 	snop  }
0x5: {  	_ = 	snop  }
0x6: {  	_ = 	snop  }
0x7: {  	_ = 	snop  }
__scs_overlays_trampoline_lowered:
0x8: {  	[smem:$0x3FAF] =	sst s0  }
0x9: {  	[smem:$0x3FB0] =	sst s1  }
0xa: {  	[smem:$0x3FB1] =	sst s2  }
0xb: {  	[smem:$0x3FB2] =	sst s3  }
0xc: {  	[smem:$0x3FB3] =	sst s4  }
0xd: {  	[smem:$0x3FB4] =	sst s5  }
0xe: {  	[smem:$0x3FB5] =	sst s6  }
0xf: {  	[smem:$0x3FB6] =	sst s7  }
0x10: {  	[smem:$0x3FB7] =	sst s8  }
0x11: {  	[smem:$0x3FB8] =	sst s9;
	s0 =	simm.s32 @!p0 $0x0  }
0x12: {  	s1 =	sld [smem:$0x3F9E];
	s0 =	simm.s32 @p0 $0x1  }
0x13: {  	[smem:$0x3FB9] =	sst s0;
	s0 =	simm.s32 @!p1 $0x0  }
0x14: {  	s2 =	sld [smem:$0x3F9D];
	s0 =	simm.s32 @p1 $0x1  }
0x15: {  	[smem:$0x3FBA] =	sst s0;
	s0 =	simm.s32 @!p2 $0x0  }
0x16: {  	s3 =	sld [smem:$0x3FDB];
	s0 =	simm.s32 @p2 $0x1  }
0x17: {  	s4 =	simm.s32 $0x1BF5;
	[smem:$0x3FBC] =	sst s0  }
0x18: {  	s0 =	sld [smem:$0x3F9F];
	_ =	swait.ge [sflag:s4], $0x0  }
0x19: {  	s7 =	sld [smem:$0x3FA0]  }
0x1a: {  	s8 =	sadd.s32 $0xFFFFE003, lr  }
0x1b: {  	s9 =	sadd.s32 $0xFFFFFEF7, lr;
	s5 =	simm.s32 $0xFFFFFFFF;
	p2 =	slt.u32 s8, $0xFFFFF086  }
0x1c: {  	p1 =	slt.u32 s9, $0xF7A;
	s5 =	simm.s32 @!p2 $0x0  }
0x1d: {  	s5 =	simm.s32 @p1 $0x1;
	p0 =	seq.s32 s7, s2  }
0x1e: {  	s7 =	smul.u32 @!p0 $0xF7A, s2;
	p2 =	seq.s32 @!p0 s5, $0x0  }
0x1f: {  	s9 =	smul.u32 $0xF7A, s1;
	s8 =	simm.s32 @!p0 $0x1BF5;
	p2 =	por !p2, p0  }
0x20: {  	[sflag:s8] =	ssyncset.s32 @!p0 $0xFFFFF086;
	s6 =	sadd.s32 @!p0 s3, s7;
	s7 =	simm.s32 @!p0 $0x108  }
0x21: {  	s3 =	sadd.s32 s3, s9;
	s6 =	sadd.s32 @!p0 $0x88, s6;
	s7 =	simm.s32 @p2 $0x1082  }
0x22: {  	[simem:s7], [sflag:s8] =	dma.local @!p0 [hbm:s6], $0xF7A  }
0x23: {  	s9 =	sor.u32 $0xD0000000, s2;
	s6 =	simm.s32 $0x108;
	_ =	swait.ge @!p0 [sflag:s8], $0x0  }
0x24: {  	s3 =	sadd.s32 $0x88, s3;
	s6 =	simm.s32 @!p1 $0x1082;
	[sflag:s4] =	ssyncset.s32 $0xFFFFF086  }
0x25: {  	[simem:s6], [sflag:s4] =	dma.local [hbm:s3], $0xF7A  }
0x26: {  	[smem:$0x3FA0] =	sst s1;
	(tag) =	ssettag s2;
	_ =	strace s9  }
0x27: {  	s1 =	sld [smem:$0x3FB0]  }
0x28: {  	s2 =	sld [smem:$0x3FB1]  }
0x29: {  	s4 =	sld [smem:$0x3FB3]  }
0x2a: {  	p0 =	seq.s32 s5, $0x0;
	s5 =	sld [smem:$0x3FB4]  }
0x2b: {  	s6 =	sld [smem:$0x3FB5]  }
0x2c: {  	s7 =	sld [smem:$0x3FB6]  }
0x2d: {  	s3 =	simm.s32 $0x108;
	s8 =	sld [smem:$0x3FB7]  }
0x2e: {  	s3 =	simm.s32 @!p0 $0x1082;
	s9 =	sld [smem:$0x3FB8]  }
0x2f: {  	lr =	sadd.s32 s0, s3;
	s0 =	sld [smem:$0x3FAF]  }
0x30: {  	s3 =	sld [smem:$0x3FB2]  }
0x31: {  	[smem:$0x3FBB] =	sst s10  }
0x32: {  	s10 =	sld [smem:$0x3FB9];
	_ =	sdelay $0x3  }
0x33: {  	p0 =	seq.s32 s10, $0x1;
	s10 =	sld [smem:$0x3FBB];
	_ =	sdelay $0x3  }
0x34: {  	[smem:$0x3FBB] =	sst s10  }
0x35: {  	s10 =	sld [smem:$0x3FBA];
	_ =	sdelay $0x3  }
0x36: {  	p1 =	seq.s32 s10, $0x1;
	s10 =	sld [smem:$0x3FBB];
	_ =	sdelay $0x3  }
0x37: {  	[smem:$0x3FBB] =	sst s10  }
0x38: {  	s10 =	sld [smem:$0x3FBC]  }
0x39: {  	_ = 	snop;
	(pc) =	sbr.ind lr, $3  }
0x3a: {  	_ = 	snop  }
0x3b: {  	_ = 	snop  }
0x3c: {  	p2 =	seq.s32 s10, $0x1;
	s10 =	sld [smem:$0x3FBB]  }
0x3d: {  	_ =	shalt  }
0x3e: {  	_ =	shalt  }
0x3f: {  	_ =	shalt  }
0x40: {  	_ =	shalt  }
0x41: {  	_ =	shalt  }
0x42: {  	_ =	shalt  }
0x43: {  	_ =	shalt  }
0x44: {  	_ =	shalt  }
0x45: {  	_ =	shalt  }
0x46: {  	_ =	shalt  }
0x47: {  	_ =	shalt  }
0x48: {  	_ =	shalt  }
0x49: {  	_ =	shalt  }
0x4a: {  	_ =	shalt  }
0x4b: {  	_ =	shalt  }
0x4c: {  	_ =	shalt  }
0x4d: {  	_ =	shalt  }
0x4e: {  	_ =	shalt  }
0x4f: {  	_ =	shalt  }
0x50: {  	_ =	shalt  }
0x51: {  	_ =	shalt  }
0x52: {  	_ =	shalt  }
0x53: {  	_ =	shalt  }
0x54: {  	_ =	shalt  }
0x55: {  	_ =	shalt  }
0x56: {  	_ =	shalt  }
0x57: {  	_ =	shalt  }
0x58: {  	_ =	shalt  }
0x59: {  	_ =	shalt  }
0x5a: {  	_ =	shalt  }
0x5b: {  	_ =	shalt  }
0x5c: {  	_ =	shalt  }
0x5d: {  	_ =	shalt  }
0x5e: {  	_ =	shalt  }
0x5f: {  	_ =	shalt  }
0x60: {  	_ =	shalt  }
0x61: {  	_ =	shalt  }
0x62: {  	_ =	shalt  }
0x63: {  	_ =	shalt  }
0x64: {  	_ =	shalt  }
0x65: {  	_ =	shalt  }
0x66: {  	_ =	shalt  }
0x67: {  	_ =	shalt  }
0x68: {  	_ =	shalt  }
0x69: {  	_ =	shalt  }
0x6a: {  	_ =	shalt  }
0x6b: {  	_ =	shalt  }
0x6c: {  	_ =	shalt  }
0x6d: {  	_ =	shalt  }
0x6e: {  	_ =	shalt  }
0x6f: {  	_ =	shalt  }
0x70: {  	_ =	shalt  }
0x71: {  	_ =	shalt  }
0x72: {  	_ =	shalt  }
0x73: {  	_ =	shalt  }
0x74: {  	_ =	shalt  }
0x75: {  	_ =	shalt  }
0x76: {  	_ =	shalt  }
0x77: {  	_ =	shalt  }
0x78: {  	_ =	shalt  }
0x79: {  	_ =	shalt  }
0x7a: {  	_ =	shalt  }
0x7b: {  	_ =	shalt  }
0x7c: {  	_ =	shalt  }
0x7d: {  	_ =	shalt  }
0x7e: {  	_ =	shalt  }
0x7f: {  	_ =	shalt  }
0x80: {  	_ =	shalt  }
0x81: {  	_ =	shalt  }
0x82: {  	_ =	shalt  }
0x83: {  	_ =	shalt  }
0x84: {  	_ =	shalt  }
0x85: {  	_ =	shalt  }
0x86: {  	_ =	shalt  }
0x87: {  	_ =	shalt  }
.Lfunc_end0:
.L_simem_size_0:
called_computation_lowered:
.L_overlay_start_0:
0x88: {  	s2 =	sld [smem:$0x3FD9]  }
0x89: {  	s3 =	sld [smem:$0x3FFE];
	_ =	sdelay $0x1  }
0x8a: {  	s1 =	srdreg.scid  }
0x8b: {  	s0 =	sand.u32 $0x1, s1  }
0x8c: {  	s17 =	sshll.u32 s0, $0xA;
	s2 =	sadd.s32 s3, s2  }
0x8d: {  	s2 =	sadd.s32 s2, s17  }
0x8e: {  	[smem:$0x3FC7] =	sst s2  }
0x8f: {  	_ = 	snop  }
0x90: {  	s2 =	sld [smem:$0x3FD0];
	(tm) =	ssettm $0x1  }
0x91: {  	s18 =	sld [smem:$0x3FFB];
	_ =	sdelay $0x3  }
0x92: {  	_ =	strace s18  }
0x93: {  	s3 =	sld [smem:$0x3FFC];
	_ =	sdelay $0x3  }
0x94: {  	_ =	strace s3  }
0x95: {  	s3 =	sld [smem:$0x3FFD];
	_ =	sdelay $0x3  }
0x96: {  	_ =	strace s3  }
0x97: {  	_ =	strace $0x8FFFFFFF  }
0x98: {  	s19 =	sld [smem:$0x3FDB];
	_ =	sdelay $0x1  }
0x99: {  	s4 =	simm.s32 $_scs_section_size  }
0x9a: {  	s5 =	simm.s32 $_size__tile_overlayer_lowered;
	s6 =	simm.s32 $_tile_overlayer_lowered  }
0x9b: {  	s22 =	simm.s32 $0x1BFF;
	s21 =	sshll.u32 s6, $0x1;
	s3 =	sadd.s32 s4, s19  }
0x9c: {  	s7 =	simm.s32 $0x0;
	s20 =	sshll.u32 s5, $0x1;
	s5 =	sadd.s32 s21, s3  }
0x9d: {  	[timem:s7], [sflag:s22] =	dma.local [hbm:s5], s20  }
0x9e: {  	_ =	swait.ge [sflag:s22], s20  }
0x9f: {  	s4 =	ssub.s32 $0x0, s20;
	[sflag:s22] =	ssyncset.done $0x0  }
0xa0: {  	[sflag:s22] =	ssyncadd.s32 s4;
	_ =	sdelay $0x1  }
0xa1: {  	s23 =	simm.s32 $0x1B8B  }
0xa2: {  	_ =	swait.ge [sflag:s23], $0x1  }
0xa3: {  	[sflag:s23] =	ssyncset.done $0x0  }
0xa4: {  	s25 =	simm.s32 $0x1B8E;
	s24 =	sld [smem:$0x3FFE];
	[sflag:s23] =	ssyncadd.s32 $0xFFFFFFFF  }
0xa5: {  	s26 =	simm.s32 $execute0_lowered;
	[smem:$0x3FD2] =	sst s25  }
0xa6: {  	s5 =	sshll.u32 s26, $0x1;
	_ =	strace $0x80000046;
	[dreg:$0x1] =	wrdreg $0xFFFFFFFF  }
0xa7: {  	s28 =	simm.s32 $_size_execute0_lowered;
	s3 =	sadd.s32 s3, s5;
	[dreg:$0x0] =	wrdreg $0x0  }
0xa8: {  	s5 =	sshll.u32 s28, $0x1;
	[dreg:$0x2] =	wrdreg s3  }
0xa9: {  	[dreg:$0x3] =	wrdreg s5  }
0xaa: {  	[dreg:$0x4] =	wrdreg $0xC0  }
0xab: {  	_ =	task [dreg:s7], $0x5FFFF  }
0xac: {  	[dreg:$0x1] =	wrdreg $0xFFFFFFFF  }
0xad: {  	[dreg:$0x0] =	wrdreg $0x60  }
0xae: {  	[dreg:$0x2] =	wrdreg s2  }
0xaf: {  	[dreg:$0x3] =	wrdreg s24  }
0xb0: {  	[dreg:$0x4] =	wrdreg $0x9  }
0xb1: {  	_ =	task.clear_ibuf [dreg:s7], $0x5FFFF;
	_ =	strace $0x90000046  }
0xb2: {  	s29 =	simm.s32 $0x9;
	_ =	strace $0x80000048  }
0xb3: {  	_ =	swait.ge [sflag:s29], $0x1  }
0xb4: {  	[sflag:s29] =	ssyncadd.s32 $0xFFFFFFFF  }
0xb5: {  	_ =	strace $0x90000048  }
0xb6: {  	_ =	sfence  }
0xb7: {  	s30 =	sld [smem:$0x0];
	_ =	sdelay $0x2  }
0xb8: {  	s31 =	sshll.u32 s1, $0xD;
	s1 =	sshrl.u32 s1, $0x2  }
0xb9: {  	s3 =	sand.u32 $0x4000, s31;
	s1 =	sadd.s32 s1, s30  }
0xba: {  	s0 =	sor.u32 s3, s0;
	s1 =	sshll.u32 s1, $0x11  }
0xbb: {  	s0 =	sor.u32 s1, s0  }
0xbc: {  	s0 =	sadd.s32 $0x8F2B, s0  }
0xbd: {  	[sflag:s0] =	ssyncadd.remote.s32 $0x1  }
0xbe: {  	_ =	sfence.sel $0xFFFF  }
0xbf: {  	[dreg:$0x0] =	wrdreg $0xFFFFFFFF;
	(pc) =	sbr.abs _section_cstart, $3  }
0xc0: {  	[dreg:$0x1] =	wrdreg $0xFFFFFFFF  }
0xc1: {  	_ =	task.clear_ibuf [dreg:s7], $0x2FFFF;
	_ =	strace $0x9FFFFFFF  }
0xc2: {  	(tm) =	ssettm $0x7FFFFFFF  }
0xc3: {  	_ =	shalt  }
tec
execute0_lowered:
.L_overlay_start_1:
0x0: {  	(tag) =	ssettag $0x1  }
0x1: {  	v0 =	vimm.s32 $0x8ACE0  }
0x2: {  	v0 =	vunpack.c.l.s4.s8 v0  }
0x3: {  	s1 =	srdreg.scid;
	s0 =	stileid.u32;
	v1 =	vimm.s32 $0xF2F4F601  }
0x4: {  	v2 =	vimm.s32 $0xFBFDFFF9;
	s10 =	sand.u32 $0x1, s1;
	s2 =	sshll.u32 s0, $0x1;
	s3 =	sshrl.u32 s0, $0x1;
	v1 =	vunpack.c.0.s8.s32 v1;
	v0 =	vunpack.c.0.s8.s32 v0  }
0x5: {  	vm0 =	vcmask $0x2314;
	v3 =	vimm.s32 $0xF3F5F700;
	v2 =	vunpack.c.0.s8.s32 v2;
	s13 =	sor.u32 s10, s2;
	s4 =	smul.u32 $0x7FE, s3  }
0x6: {  	vm14 =	vcmask $0x3324;
	s5 =	sshll.u32 s13, $0x9;
	v0 =	vsel vm0, v1, v0;
	v1 =	vunpack.c.0.s8.s32 v3  }
0x7: {  	s14 =	rddreg [dreg:$0x1];
	vm15 =	vcmask $0x3F34;
	s4 =	ssub.s32 s4, s5;
	v0 =	vsel vm14, v2, v0  }
0x8: {  	s1 =	rddreg [dreg:$0x0];
	s3 =	simm.s32 $0x0;
	s5 =	sadd.s32 $0x7EC, s4;
	v31 =	vsel vm15, v1, v0  }
0x9: {  	[smem:$0x7FF] =	sst s3;
	s22 =	sadd.s32 $0x7DC, s4;
	v0 =	vadd.s32 s5, v31  }
0xa: {  	s2 =	rddreg [dreg:$0x2];
	_ =	strace $0x80000047;
	s23 =	sadd.s32 $0x7CC, s4;
	v1 =	vadd.s32 s22, v31;
	[tilespmem:$0x20] =	vst v0  }
0xb: {  	s24 =	sadd.s32 $0x7BC, s4;
	v2 =	vadd.s32 s23, v31;
	[tilespmem:$0x30] =	vst v1  }
0xc: {  	s25 =	sadd.s32 $0x7AC, s4;
	v3 =	vadd.s32 s24, v31;
	[tilespmem:$0x40] =	vst v2  }
0xd: {  	s26 =	sadd.s32 $0x79C, s4;
	v4 =	vadd.s32 s25, v31;
	[tilespmem:$0x50] =	vst v3  }
0xe: {  	s6 =	sadd.s32 $0x80C, s4;
	v5 =	vadd.s32 s26, v31;
	[tilespmem:$0x60] =	vst v4  }
0xf: {  	s28 =	sadd.s32 $0x61C, s4;
	v6 =	vadd.s32 s6, v31;
	[tilespmem:$0x70] =	vst v5  }
0x10: {  	s29 =	sadd.s32 $0x62C, s4;
	v7 =	vadd.s32 s28, v31;
	[tilespmem:$0x0] =	vst v6  }
0x11: {  	s30 =	sadd.s32 $0x63C, s4;
	v8 =	vadd.s32 s29, v31;
	[tilespmem:$0x1F0] =	vst v7  }
0x12: {  	s31 =	sadd.s32 $0x64C, s4;
	v9 =	vadd.s32 s30, v31;
	[tilespmem:$0x1E0] =	vst v8  }
0x13: {  	s7 =	sadd.s32 $0x65C, s4;
	v10 =	vadd.s32 s31, v31;
	[tilespmem:$0x1D0] =	vst v9  }
0x14: {  	s8 =	sadd.s32 $0x66C, s4;
	v11 =	vadd.s32 s7, v31;
	[tilespmem:$0x1C0] =	vst v10  }
0x15: {  	s9 =	sadd.s32 $0x67C, s4;
	v12 =	vadd.s32 s8, v31;
	[tilespmem:$0x1B0] =	vst v11  }
0x16: {  	s11 =	sadd.s32 $0x68C, s4;
	v13 =	vadd.s32 s9, v31;
	[tilespmem:$0x1A0] =	vst v12  }
0x17: {  	s12 =	sadd.s32 $0x69C, s4;
	v14 =	vadd.s32 s11, v31;
	[tilespmem:$0x190] =	vst v13  }
0x18: {  	s15 =	sadd.s32 $0x6AC, s4;
	v15 =	vadd.s32 s12, v31;
	[tilespmem:$0x180] =	vst v14  }
0x19: {  	s16 =	sadd.s32 $0x6BC, s4;
	v16 =	vadd.s32 s15, v31;
	[tilespmem:$0x170] =	vst v15  }
0x1a: {  	s17 =	sadd.s32 $0x6CC, s4;
	v17 =	vadd.s32 s16, v31;
	[tilespmem:$0x160] =	vst v16  }
0x1b: {  	s18 =	sadd.s32 $0x6DC, s4;
	v18 =	vadd.s32 s17, v31;
	[tilespmem:$0x150] =	vst v17  }
0x1c: {  	s19 =	sadd.s32 $0x6EC, s4;
	v19 =	vadd.s32 s18, v31;
	[tilespmem:$0x140] =	vst v18  }
0x1d: {  	s20 =	sadd.s32 $0x6FC, s4;
	v20 =	vadd.s32 s19, v31;
	[tilespmem:$0x130] =	vst v19  }
0x1e: {  	s21 =	sadd.s32 $0x70C, s4;
	v21 =	vadd.s32 s20, v31;
	[tilespmem:$0x120] =	vst v20  }
0x1f: {  	s22 =	sadd.s32 $0x71C, s4;
	v22 =	vadd.s32 s21, v31;
	[tilespmem:$0x110] =	vst v21  }
0x20: {  	s23 =	sadd.s32 $0x72C, s4;
	v23 =	vadd.s32 s22, v31;
	[tilespmem:$0x100] =	vst v22  }
0x21: {  	s24 =	sadd.s32 $0x73C, s4;
	v24 =	vadd.s32 s23, v31;
	[tilespmem:$0xF0] =	vst v23  }
0x22: {  	s25 =	sadd.s32 $0x74C, s4;
	v25 =	vadd.s32 s24, v31;
	[tilespmem:$0xE0] =	vst v24  }
0x23: {  	s26 =	sadd.s32 $0x75C, s4;
	v26 =	vadd.s32 s25, v31;
	[tilespmem:$0xD0] =	vst v25  }
0x24: {  	s28 =	sadd.s32 $0x76C, s4;
	v27 =	vadd.s32 s26, v31;
	[tilespmem:$0xC0] =	vst v26  }
0x25: {  	s29 =	sadd.s32 $0x77C, s4;
	v28 =	vadd.s32 s28, v31;
	[tilespmem:$0xB0] =	vst v27  }
0x26: {  	s30 =	sadd.s32 $0x78C, s4;
	v29 =	vadd.s32 s29, v31;
	[tilespmem:$0xA0] =	vst v28  }
0x27: {  	s4 =	sadd.s32 $0x7FC, s4;
	v30 =	vadd.s32 s30, v31;
	[tilespmem:$0x90] =	vst v29  }
0x28: {  	v31 =	vadd.s32 s4, v31;
	[tilespmem:$0x80] =	vst v30  }
0x29: {  	s5 =	simm.s32 $0x200;
	s4 =	simm.s32 $0x80;
	[tilespmem:$0x10] =	vst v31  }
0x2a: {  	[tilespmem:s5], [sflag:$0x1] =	stream.indirect.gather [hbm4b:s1+s4], $0x80, s3, s4, $0xb8;
	[tilespmem:$0x10200] =	vst v63  }
0x2b: {  	s6 =	simm.s32 $0x4200  }
0x2c: {  	[tilespmem:s6], [sflag:$0x1] =	stream.indirect.gather [hbm4b:s1+s4], $0x80, s4, s4, $0xb8;
	[tilespmem:$0x10200] =	vst v63  }
0x2d: {  	s7 =	simm.s32 $0x100;
	s8 =	simm.s32 $0x8200  }
0x2e: {  	[tilespmem:s8], [sflag:$0x1] =	stream.indirect.gather [hbm4b:s1+s4], $0x80, s7, s4, $0xb8;
	[tilespmem:$0x10200] =	vst v63  }
0x2f: {  	s9 =	simm.s32 $0x180;
	s11 =	simm.s32 $0xC200;
	s12 =	simm.s32 $0x1  }
0x30: {  	[tilespmem:s11], [sflag:$0x1] =	stream.indirect.gather [hbm4b:s1+s4], $0x80, s9, s4, $0xb8;
	[tilespmem:$0x10200] =	vst v63  }
0x31: {  	_ =	swait.ge [sflag:s12], $0x4000  }
0x32: {  	[sflag:s12] =	ssyncset.done $0x0  }
0x33: {  	[sflag:s12] =	ssyncadd.s32 $0xFFFFC000  }
0x34: {  	_ =	swait.ge [sflag:s12], $0x4000  }
0x35: {  	[sflag:s12] =	ssyncset.done $0x0  }
0x36: {  	s10 =	ssub.s32 $0x2, s10;
	[sflag:s12] =	ssyncadd.s32 $0xFFFFC000  }
0x37: {  	s13 =	sshll.u32 s13, $0xD;
	s31 =	sshrl.u32 s10, $0x1;
	_ =	swait.ge [sflag:s12], $0x4000  }
0x38: {  	s13 =	sadd.s32 s13, s14;
	s14 =	ssub.s32 s10, s31;
	[sflag:s12] =	ssyncset.done $0x0  }
0x39: {  	s14 =	smax.u32 s14, $0x1;
	[sflag:s12] =	ssyncadd.s32 $0xFFFFC000  }
0x3a: {  	p0 =	sne.s32 s14, $0x1;
	_ =	swait.ge [sflag:s12], $0x4000  }
.Ltmp0:
0x3b: {  	[sflag:s12] =	ssyncset.done $0x0;
	(pc) =	sbr.rel @!p0 .LBB2_2-.Ltmp0, $4  }
0x3c: {  	s10 =	sadd.s32 $0x400, s13;
	s13 =	simm.s32 $0x2;
	[sflag:s12] =	ssyncadd.s32 $0xFFFFC000  }
0x3d: {  	[hbm4b:s10+s3] =	stream.linear.scatter [tilespmem:s5], [sflag:$0x2], $0x10000, $0x38;
	[tilespmem:$0x10200] =	vst v63  }
0x3e: {  	_ =	swait.ge [sflag:s13], $0x10000  }
0x3f: {  	s14 =	sadd.s32 $0xFFFFFFFF, s14;
	[sflag:s13] =	ssyncset.done $0x0  }
.LBB2_1:
0x40: {  	p0 =	sne.s32 s14, $0x1;
	s14 =	sadd.s32 $0xFFFFFFFF, s14;
	[sflag:s13] =	ssyncadd.s32 $0xFFFF0000  }
0x41: {  	[tilespmem:$0x20] =	vst v0  }
0x42: {  	[tilespmem:$0x30] =	vst v1  }
0x43: {  	[tilespmem:$0x40] =	vst v2  }
0x44: {  	[tilespmem:$0x50] =	vst v3  }
0x45: {  	[tilespmem:$0x60] =	vst v4  }
0x46: {  	[tilespmem:$0x70] =	vst v5  }
0x47: {  	[tilespmem:$0x0] =	vst v6  }
0x48: {  	[tilespmem:$0x1F0] =	vst v7  }
0x49: {  	[tilespmem:$0x1E0] =	vst v8  }
0x4a: {  	[tilespmem:$0x1D0] =	vst v9  }
0x4b: {  	[tilespmem:$0x1C0] =	vst v10  }
0x4c: {  	[tilespmem:$0x1B0] =	vst v11  }
0x4d: {  	[tilespmem:$0x1A0] =	vst v12  }
0x4e: {  	[tilespmem:$0x190] =	vst v13  }
0x4f: {  	[tilespmem:$0x180] =	vst v14  }
0x50: {  	[tilespmem:$0x170] =	vst v15  }
0x51: {  	[tilespmem:$0x160] =	vst v16  }
0x52: {  	[tilespmem:$0x150] =	vst v17  }
0x53: {  	[tilespmem:$0x140] =	vst v18  }
0x54: {  	[tilespmem:$0x130] =	vst v19  }
0x55: {  	[tilespmem:$0x120] =	vst v20  }
0x56: {  	[tilespmem:$0x110] =	vst v21  }
0x57: {  	[tilespmem:$0x100] =	vst v22  }
0x58: {  	[tilespmem:$0xF0] =	vst v23  }
0x59: {  	[tilespmem:$0xE0] =	vst v24  }
0x5a: {  	[tilespmem:$0xD0] =	vst v25  }
0x5b: {  	[tilespmem:$0xC0] =	vst v26  }
0x5c: {  	[tilespmem:$0xB0] =	vst v27  }
0x5d: {  	[tilespmem:$0xA0] =	vst v28  }
0x5e: {  	[tilespmem:$0x90] =	vst v29  }
0x5f: {  	[tilespmem:$0x80] =	vst v30  }
0x60: {  	[tilespmem:$0x10] =	vst v31  }
0x61: {  	[tilespmem:s5], [sflag:$0x1] =	stream.indirect.gather [hbm4b:s1+s4], $0x80, s3, s4, $0xb8;
	[tilespmem:$0x10200] =	vst v63  }
0x62: {  	_ = 	snop  }
0x63: {  	[tilespmem:s6], [sflag:$0x1] =	stream.indirect.gather [hbm4b:s1+s4], $0x80, s4, s4, $0xb8;
	[tilespmem:$0x10200] =	vst v63  }
0x64: {  	_ = 	snop  }
0x65: {  	[tilespmem:s8], [sflag:$0x1] =	stream.indirect.gather [hbm4b:s1+s4], $0x80, s7, s4, $0xb8;
	[tilespmem:$0x10200] =	vst v63  }
0x66: {  	_ = 	snop  }
0x67: {  	[tilespmem:s11], [sflag:$0x1] =	stream.indirect.gather [hbm4b:s1+s4], $0x80, s9, s4, $0xb8;
	[tilespmem:$0x10200] =	vst v63  }
0x68: {  	_ =	swait.ge [sflag:s12], $0x4000  }
0x69: {  	[sflag:s12] =	ssyncset.done $0x0  }
0x6a: {  	[sflag:s12] =	ssyncadd.s32 $0xFFFFC000  }
0x6b: {  	_ =	swait.ge [sflag:s12], $0x4000  }
0x6c: {  	[sflag:s12] =	ssyncset.done $0x0  }
0x6d: {  	[sflag:s12] =	ssyncadd.s32 $0xFFFFC000  }
0x6e: {  	_ =	swait.ge [sflag:s12], $0x4000  }
0x6f: {  	[sflag:s12] =	ssyncset.done $0x0  }
0x70: {  	[sflag:s12] =	ssyncadd.s32 $0xFFFFC000  }
0x71: {  	_ =	swait.ge [sflag:s12], $0x4000  }
.Ltmp1:
0x72: {  	[sflag:s12] =	ssyncset.done $0x0;
	(pc) =	sbr.rel @p0 .LBB2_1-.Ltmp1, $4  }
0x73: {  	[sflag:s12] =	ssyncadd.s32 $0xFFFFC000  }
0x74: {  	[hbm4b:s10+s3] =	stream.linear.scatter [tilespmem:s5], [sflag:$0x2], $0x10000, $0x38;
	[tilespmem:$0x10200] =	vst v63  }
0x75: {  	_ =	swait.ge [sflag:s13], $0x10000  }
0x76: {  	[sflag:s13] =	ssyncset.done $0x0  }
.LBB2_2:
0x77: {  	[sflag:s13] =	ssyncadd.s32 $0xFFFF0000  }
0x78: {  	_ =	sfence.sel $0x180000  }
0x79: {  	[bflag:$0x0] =	sbarrier.arrive $0xFFFF  }
0x7a: {  	p0 =	sne.s32 s0, $0x0;
	_ =	strace $0x90000047  }
0x7b: {  	s0 =	sadd.s32 @!p0 $0x100000, s2;
	[bflag:$0x2] =	sbarrier.arrive $0xFFFF  }
0x7c: {  	[sflag:s0] =	ssyncadd.tile.s32 @!p0 $0x1;
	_ =	shalt  }
.Lfunc_end2:
_tile_overlayer_lowered:
.L_overlay_start_2:
0x7d: {  	(tag) =	ssettag $0x2  }
0x7e: {  	s0 =	rddreg [dreg:$0x0];
	s2 =	stileid.u32  }
0x7f: {  	s1 =	rddreg [dreg:$0x1];
	p0 =	sne.s32 s2, $0x0  }
0x80: {  	s3 =	rddreg [dreg:$0x2];
	[bflag:$0x3] =	sbarrier.arrive $0xFFFF;
	s2 =	simm.s32 @!p0 $0x1C02  }
0x81: {  	[timem:s3], [sflag:s2] =	dma.local @!p0 [hbm:s0], s1  }
0x82: {  	s0 =	simm.s32 @!p0 $0x2  }
0x83: {  	_ =	swait.ge @!p0 [sflag:s0], s1  }
0x84: {  	s1 =	ssub.s32 @!p0 $0x0, s1;
	[sflag:s0] =	ssyncset.done @!p0 $0x0  }
0x85: {  	[sflag:s0] =	ssyncadd.s32 @!p0 s1  }
0x86: {  	[bflag:$0x3] =	sbarrier.arrive $0xFFFF  }
0x87: {  	_ =	shalt  }

</sc_bundles>
